<compile_context>
chip_gen: v7x
topology: tpu7x:2x2x1
jax: 0.10.2.dev20260603
libtpu: 0.0.44.dev20260713+nightly
codegen_flags: <defaults>
</compile_context>

<pallas_src>
import functools

import jax
import jax.numpy as jnp
from jax import lax
from jax.experimental import pallas as pl
from jax.experimental.pallas import tpu as pltpu
from jax.experimental.pallas import tpu_sc as plsc

NBINS = 256
LANES = 16
NCORES = 2
NSUB = 16
NWORKERS = NCORES * NSUB
SUBHIST = NBINS * LANES
CHUNK = 32768
UNROLL = 16


def _hist_body(nchunk, x_hbm, out_hbm, buf0, buf1, hist_v, sem0, sem1):
    cid = lax.axis_index("c")
    sid = lax.axis_index("s")
    wid = sid * NCORES + cid
    per_w = nchunk * CHUNK
    base = wid * per_w

    zeros16 = jnp.zeros((LANES,), jnp.float32)
    ones16 = jnp.ones((LANES,), jnp.float32)
    lane = lax.iota(jnp.int32, LANES)
    lane_magic = lane.astype(jnp.float32) + jnp.float32(8388608.0)

    def zero_body(i, carry):
        for k in range(16):
            hist_v[pl.ds(i * (16 * LANES) + k * LANES, LANES)] = zeros16
        return carry

    lax.fori_loop(0, SUBHIST // (16 * LANES), zero_body, 0)

    def start(g, buf, sem):
        pltpu.async_copy(x_hbm.at[pl.ds(base + g * CHUNK, CHUNK)], buf, sem)

    def wait(buf, sem):
        pltpu.make_async_copy(x_hbm.at[pl.ds(base, CHUNK)], buf, sem).wait()

    def process(buf):
        def vec_body(i, c2):
            b0 = i * (LANES * UNROLL)
            vs = [buf[pl.ds(b0 + k * LANES, LANES)] for k in range(UNROLL)]
            fs = [v * jnp.float32(16.0) + lane_magic for v in vs]
            idxs = [plsc.bitcast(f, jnp.int32) & jnp.int32(0xFFF) for f in fs]
            for idx in idxs:
                plsc.addupdate_scatter(hist_v, [idx], ones16)
            return c2

        lax.fori_loop(0, CHUNK // (LANES * UNROLL), vec_body, 0)

    start(0, buf0, sem0)

    def pair_body(p, carry):
        g0 = 2 * p
        wait(buf0, sem0)
        start(g0 + 1, buf1, sem1)
        process(buf0)
        wait(buf1, sem1)

        @pl.when(g0 + 2 < nchunk)
        def _():
            start(g0 + 2, buf0, sem0)

        process(buf1)
        return carry

    lax.fori_loop(0, nchunk // 2, pair_body, 0)
    pltpu.sync_copy(hist_v, out_hbm.at[wid])


def _make_hist(n):
    per_w = n // NWORKERS
    assert per_w * NWORKERS == n and per_w % (2 * CHUNK) == 0
    nchunk = per_w // CHUNK
    return pl.kernel(
        functools.partial(_hist_body, nchunk),
        out_type=jax.ShapeDtypeStruct((NWORKERS, SUBHIST), jnp.float32),
        mesh=plsc.VectorSubcoreMesh(
            core_axis_name="c", subcore_axis_name="s",
            num_cores=NCORES, num_subcores=NSUB,
        ),
        scratch_types=[
            pltpu.VMEM((CHUNK,), jnp.float32),
            pltpu.VMEM((CHUNK,), jnp.float32),
            pltpu.VMEM((SUBHIST,), jnp.float32),
            pltpu.SemaphoreType.DMA,
            pltpu.SemaphoreType.DMA,
        ],
        compiler_params=pltpu.CompilerParams(
            needs_layout_passes=False, skip_device_barrier=True,
        ),
    )


def _otsu_body(hists_ref, out_ref):
    a = hists_ref[...]
    c = jnp.sum(a, axis=0, keepdims=True)
    jv = (lax.broadcasted_iota(jnp.int32, (1, SUBHIST), 1) >> 4).astype(
        jnp.float32)
    jj = lax.broadcasted_iota(jnp.int32, (SUBHIST, 1), 0) >> 4
    ii = lax.broadcasted_iota(jnp.int32, (1, NBINS), 1)
    k1 = (jj <= ii).astype(jnp.float32)

    w1 = lax.dot_general(
        c, k1, (((1,), (0,)), ((), ())),
        precision=lax.Precision.HIGHEST, preferred_element_type=jnp.float32,
    )
    cs1 = lax.dot_general(
        c * jv, k1, (((1,), (0,)), ((), ())),
        precision=lax.Precision.HIGHEST, preferred_element_type=jnp.float32,
    )

    n_tot = jnp.max(w1)
    s_tot = jnp.max(cs1)
    w2 = n_tot - w1
    valid = jnp.logical_and(w1 > 0.0, w2 > 0.0)
    var12 = w1 * w2 * (cs1 / w1 - (s_tot - cs1) / w2) ** 2
    var12 = jnp.where(valid, var12, -jnp.inf)
    m = jnp.max(var12)
    centers = lax.broadcasted_iota(jnp.int32, (1, NBINS), 1).astype(jnp.float32)
    cand = jnp.where(var12 == m, centers, jnp.float32(NBINS))
    out_ref[...] = jnp.reshape(jnp.min(cand), (1, 1))


_otsu = pl.pallas_call(
    _otsu_body,
    out_shape=jax.ShapeDtypeStruct((1, 1), jnp.float32),
    compiler_params=pltpu.CompilerParams(skip_device_barrier=True),
)


@jax.jit
def kernel(x):
    hists = _make_hist(x.size)(x)
    thr = _otsu(hists)
    return thr[0, 0]

# --- scband reference (transcript-rebuilt; emitter-appended) ---
"""Pipeline reference for scband-stotsu-6932077215781 (READ-ONLY COPY).

The authoritative reference and input builder live on the scoring server;
editing this copy changes nothing except your own understanding.
"""

import jax, jax.numpy as jnp
import numpy as np


def setup_inputs(seed: int = 0) -> dict:
    key = jax.random.key(seed)
    x = jax.random.randint(key, (16777216,), 0, 256).astype(jnp.float32)
    return {"x": x}


def reference(x):
    min_x = x.min()
    max_x = x.max()
    # assume non-degenerate input (min != max), as in the healthy path of STOtsu
    max_bins = 256  # x values lie in [0, 256), so bins <= 256
    bins = (max_x - min_x + 1.0).astype(jnp.int32)
    bin_centers = min_x + jnp.arange(max_bins, dtype=jnp.float32)
    # torch.histc(x, bins=max-min+1) over integer-valued data == per-integer-value counts
    idx_bins = jnp.clip((x - min_x).astype(jnp.int32), 0, max_bins - 1)
    hist = jnp.zeros((max_bins,), dtype=jnp.float32).at[idx_bins].add(1.0)
    weight1 = jnp.cumsum(hist)
    weight2_r = jnp.cumsum(hist[::-1])
    weight2 = weight2_r[::-1]
    mean1 = jnp.cumsum(hist * bin_centers) / weight1
    mean2 = (jnp.cumsum((hist * bin_centers)[::-1]) / weight2_r)[::-1]
    diff_avg_sq = (mean1[:-1] - mean2[1:]) ** 2
    variance12 = weight1[:-1] * weight2[1:] * diff_avg_sq
    valid = jnp.arange(max_bins - 1) < (bins - 1)
    variance12 = jnp.where(valid, variance12, -jnp.inf)
    idx = jnp.argmax(variance12)
    threshold = bin_centers[:-1][idx]
    return threshold

if __name__ == "__main__":
    import jax
    _d = setup_inputs()
    print(jax.jit(kernel)(*tuple(_d.values())))

</pallas_src>

<mosaic_0001>
#map = affine_map<(d0, d1) -> (0)>
#map1 = affine_map<(d0, d1) -> (0, 0)>
module attributes {stable_mosaic.version = 14 : i64} {
  func.func @_hist_body(%arg0: i32, %arg1: i32, %arg2: memref<16777216xf32, #tpu.memory_space<hbm>>, %arg3: memref<32x4096xf32, #tpu.memory_space<hbm>>, %arg4: memref<32768xf32, #tpu.memory_space<vmem>>, %arg5: memref<32768xf32, #tpu.memory_space<vmem>>, %arg6: memref<4096xf32, #tpu.memory_space<vmem>>, %arg7: memref<!tpu.dma_semaphore, #tpu.memory_space<semaphore_mem>>, %arg8: memref<!tpu.dma_semaphore, #tpu.memory_space<semaphore_mem>>) attributes {dimension_semantics = [#tpu.dimension_semantics<core_parallel>, #tpu.dimension_semantics<subcore_parallel>], iteration_bounds = array<i64: 2, 16>, scalar_prefetch = 0 : i64, scratch_operands = 5 : i64, tpu.core_type = #tpu.core_type<sc_vector_subcore>, window_params = [{transform_indices = #map}, {transform_indices = #map1}]} {
    %mul3A = arith.constant 2 : i32
    %mul3A_0 = arith.muli %arg1, %mul3A : i32
    %add3A = arith.addi %mul3A_0, %arg0 : i32
    %mul3A_1 = arith.constant 524288 : i32
    %mul3A_2 = arith.muli %add3A, %mul3A_1 : i32
    %broadcast_in_dim3A = arith.constant 0.000000e+00 : f32
    %broadcast_in_dim3A_3 = vector.broadcast %broadcast_in_dim3A : f32 to vector<16xf32>
    %broadcast_in_dim3A_4 = arith.constant 1.000000e+00 : f32
    %broadcast_in_dim3A_5 = vector.broadcast %broadcast_in_dim3A_4 : f32 to vector<16xf32>
    %iota3A = tpu.iota {dimensions = array<i32: 0>} : vector<16xi32>
    %convert_element_type3A = arith.sitofp %iota3A : vector<16xi32> to vector<16xf32>
    %add3A_6 = arith.constant 0x4B000000 : f32
    %add3A_7 = vector.broadcast %add3A_6 : f32 to vector<16xf32>
    %add3A_8 = arith.addf %convert_element_type3A, %add3A_7 : vector<16xf32>
    %scan3A = arith.constant 0 : i32
    %scan3A_9 = arith.constant 0 : i32
    %scan3A_10 = arith.constant 16 : i32
    %scan3A_11 = arith.addi %scan3A_9, %scan3A_10 : i32
    %scan3A_12 = arith.constant 1 : i32
    scf.for %scan3A_23 = %scan3A_9 to %scan3A_11 step %scan3A_12  : i32 {
      %mul3A_24 = arith.constant 256 : i32
      %mul3A_25 = arith.muli %scan3A_23, %mul3A_24 : i32
      %add3A_26 = arith.constant 0 : i32
      %add3A_27 = arith.addi %mul3A_25, %add3A_26 : i32
      %swap3A = arith.index_cast %add3A_27 : i32 to index
      %swap3A_28 = tpu.vector_load %arg6[%swap3A] {strides = array<i32>} : memref<4096xf32, #tpu.memory_space<vmem>>, vector<16xf32>,
      tpu.vector_store %arg6[%swap3A], %broadcast_in_dim3A_3 {strides = array<i32>} : memref<4096xf32, #tpu.memory_space<vmem>>, vector<16xf32>,
      %mul3A_29 = arith.constant 256 : i32
      %mul3A_30 = arith.muli %scan3A_23, %mul3A_29 : i32
      %add3A_31 = arith.constant 16 : i32
      %add3A_32 = arith.addi %mul3A_30, %add3A_31 : i32
      %swap3A_33 = arith.index_cast %add3A_32 : i32 to index
      %swap3A_34 = tpu.vector_load %arg6[%swap3A_33] {strides = array<i32>} : memref<4096xf32, #tpu.memory_space<vmem>>, vector<16xf32>,
      tpu.vector_store %arg6[%swap3A_33], %broadcast_in_dim3A_3 {strides = array<i32>} : memref<4096xf32, #tpu.memory_space<vmem>>, vector<16xf32>,
      %mul3A_35 = arith.constant 256 : i32
      %mul3A_36 = arith.muli %scan3A_23, %mul3A_35 : i32
      %add3A_37 = arith.constant 32 : i32
      %add3A_38 = arith.addi %mul3A_36, %add3A_37 : i32
      %swap3A_39 = arith.index_cast %add3A_38 : i32 to index
      %swap3A_40 = tpu.vector_load %arg6[%swap3A_39] {strides = array<i32>} : memref<4096xf32, #tpu.memory_space<vmem>>, vector<16xf32>,
      tpu.vector_store %arg6[%swap3A_39], %broadcast_in_dim3A_3 {strides = array<i32>} : memref<4096xf32, #tpu.memory_space<vmem>>, vector<16xf32>,
      %mul3A_41 = arith.constant 256 : i32
      %mul3A_42 = arith.muli %scan3A_23, %mul3A_41 : i32
      %add3A_43 = arith.constant 48 : i32
      %add3A_44 = arith.addi %mul3A_42, %add3A_43 : i32
      %swap3A_45 = arith.index_cast %add3A_44 : i32 to index
      %swap3A_46 = tpu.vector_load %arg6[%swap3A_45] {strides = array<i32>} : memref<4096xf32, #tpu.memory_space<vmem>>, vector<16xf32>,
      tpu.vector_store %arg6[%swap3A_45], %broadcast_in_dim3A_3 {strides = array<i32>} : memref<4096xf32, #tpu.memory_space<vmem>>, vector<16xf32>,
      %mul3A_47 = arith.constant 256 : i32
      %mul3A_48 = arith.muli %scan3A_23, %mul3A_47 : i32
      %add3A_49 = arith.constant 64 : i32
      %add3A_50 = arith.addi %mul3A_48, %add3A_49 : i32
      %swap3A_51 = arith.index_cast %add3A_50 : i32 to index
      %swap3A_52 = tpu.vector_load %arg6[%swap3A_51] {strides = array<i32>} : memref<4096xf32, #tpu.memory_space<vmem>>, vector<16xf32>,
      tpu.vector_store %arg6[%swap3A_51], %broadcast_in_dim3A_3 {strides = array<i32>} : memref<4096xf32, #tpu.memory_space<vmem>>, vector<16xf32>,
      %mul3A_53 = arith.constant 256 : i32
      %mul3A_54 = arith.muli %scan3A_23, %mul3A_53 : i32
      %add3A_55 = arith.constant 80 : i32
      %add3A_56 = arith.addi %mul3A_54, %add3A_55 : i32
      %swap3A_57 = arith.index_cast %add3A_56 : i32 to index
      %swap3A_58 = tpu.vector_load %arg6[%swap3A_57] {strides = array<i32>} : memref<4096xf32, #tpu.memory_space<vmem>>, vector<16xf32>,
      tpu.vector_store %arg6[%swap3A_57], %broadcast_in_dim3A_3 {strides = array<i32>} : memref<4096xf32, #tpu.memory_space<vmem>>, vector<16xf32>,
      %mul3A_59 = arith.constant 256 : i32
      %mul3A_60 = arith.muli %scan3A_23, %mul3A_59 : i32
      %add3A_61 = arith.constant 96 : i32
      %add3A_62 = arith.addi %mul3A_60, %add3A_61 : i32
      %swap3A_63 = arith.index_cast %add3A_62 : i32 to index
      %swap3A_64 = tpu.vector_load %arg6[%swap3A_63] {strides = array<i32>} : memref<4096xf32, #tpu.memory_space<vmem>>, vector<16xf32>,
      tpu.vector_store %arg6[%swap3A_63], %broadcast_in_dim3A_3 {strides = array<i32>} : memref<4096xf32, #tpu.memory_space<vmem>>, vector<16xf32>,
      %mul3A_65 = arith.constant 256 : i32
      %mul3A_66 = arith.muli %scan3A_23, %mul3A_65 : i32
      %add3A_67 = arith.constant 112 : i32
      %add3A_68 = arith.addi %mul3A_66, %add3A_67 : i32
      %swap3A_69 = arith.index_cast %add3A_68 : i32 to index
      %swap3A_70 = tpu.vector_load %arg6[%swap3A_69] {strides = array<i32>} : memref<4096xf32, #tpu.memory_space<vmem>>, vector<16xf32>,
      tpu.vector_store %arg6[%swap3A_69], %broadcast_in_dim3A_3 {strides = array<i32>} : memref<4096xf32, #tpu.memory_space<vmem>>, vector<16xf32>,
      %mul3A_71 = arith.constant 256 : i32
      %mul3A_72 = arith.muli %scan3A_23, %mul3A_71 : i32
      %add3A_73 = arith.constant 128 : i32
      %add3A_74 = arith.addi %mul3A_72, %add3A_73 : i32
      %swap3A_75 = arith.index_cast %add3A_74 : i32 to index
      %swap3A_76 = tpu.vector_load %arg6[%swap3A_75] {strides = array<i32>} : memref<4096xf32, #tpu.memory_space<vmem>>, vector<16xf32>,
      tpu.vector_store %arg6[%swap3A_75], %broadcast_in_dim3A_3 {strides = array<i32>} : memref<4096xf32, #tpu.memory_space<vmem>>, vector<16xf32>,
      %mul3A_77 = arith.constant 256 : i32
      %mul3A_78 = arith.muli %scan3A_23, %mul3A_77 : i32
      %add3A_79 = arith.constant 144 : i32
      %add3A_80 = arith.addi %mul3A_78, %add3A_79 : i32
      %swap3A_81 = arith.index_cast %add3A_80 : i32 to index
      %swap3A_82 = tpu.vector_load %arg6[%swap3A_81] {strides = array<i32>} : memref<4096xf32, #tpu.memory_space<vmem>>, vector<16xf32>,
      tpu.vector_store %arg6[%swap3A_81], %broadcast_in_dim3A_3 {strides = array<i32>} : memref<4096xf32, #tpu.memory_space<vmem>>, vector<16xf32>,
      %mul3A_83 = arith.constant 256 : i32
      %mul3A_84 = arith.muli %scan3A_23, %mul3A_83 : i32
      %add3A_85 = arith.constant 160 : i32
      %add3A_86 = arith.addi %mul3A_84, %add3A_85 : i32
      %swap3A_87 = arith.index_cast %add3A_86 : i32 to index
      %swap3A_88 = tpu.vector_load %arg6[%swap3A_87] {strides = array<i32>} : memref<4096xf32, #tpu.memory_space<vmem>>, vector<16xf32>,
      tpu.vector_store %arg6[%swap3A_87], %broadcast_in_dim3A_3 {strides = array<i32>} : memref<4096xf32, #tpu.memory_space<vmem>>, vector<16xf32>,
      %mul3A_89 = arith.constant 256 : i32
      %mul3A_90 = arith.muli %scan3A_23, %mul3A_89 : i32
      %add3A_91 = arith.constant 176 : i32
      %add3A_92 = arith.addi %mul3A_90, %add3A_91 : i32
      %swap3A_93 = arith.index_cast %add3A_92 : i32 to index
      %swap3A_94 = tpu.vector_load %arg6[%swap3A_93] {strides = array<i32>} : memref<4096xf32, #tpu.memory_space<vmem>>, vector<16xf32>,
      tpu.vector_store %arg6[%swap3A_93], %broadcast_in_dim3A_3 {strides = array<i32>} : memref<4096xf32, #tpu.memory_space<vmem>>, vector<16xf32>,
      %mul3A_95 = arith.constant 256 : i32
      %mul3A_96 = arith.muli %scan3A_23, %mul3A_95 : i32
      %add3A_97 = arith.constant 192 : i32
      %add3A_98 = arith.addi %mul3A_96, %add3A_97 : i32
      %swap3A_99 = arith.index_cast %add3A_98 : i32 to index
      %swap3A_100 = tpu.vector_load %arg6[%swap3A_99] {strides = array<i32>} : memref<4096xf32, #tpu.memory_space<vmem>>, vector<16xf32>,
      tpu.vector_store %arg6[%swap3A_99], %broadcast_in_dim3A_3 {strides = array<i32>} : memref<4096xf32, #tpu.memory_space<vmem>>, vector<16xf32>,
      %mul3A_101 = arith.constant 256 : i32
      %mul3A_102 = arith.muli %scan3A_23, %mul3A_101 : i32
      %add3A_103 = arith.constant 208 : i32
      %add3A_104 = arith.addi %mul3A_102, %add3A_103 : i32
      %swap3A_105 = arith.index_cast %add3A_104 : i32 to index
      %swap3A_106 = tpu.vector_load %arg6[%swap3A_105] {strides = array<i32>} : memref<4096xf32, #tpu.memory_space<vmem>>, vector<16xf32>,
      tpu.vector_store %arg6[%swap3A_105], %broadcast_in_dim3A_3 {strides = array<i32>} : memref<4096xf32, #tpu.memory_space<vmem>>, vector<16xf32>,
      %mul3A_107 = arith.constant 256 : i32
      %mul3A_108 = arith.muli %scan3A_23, %mul3A_107 : i32
      %add3A_109 = arith.constant 224 : i32
      %add3A_110 = arith.addi %mul3A_108, %add3A_109 : i32
      %swap3A_111 = arith.index_cast %add3A_110 : i32 to index
      %swap3A_112 = tpu.vector_load %arg6[%swap3A_111] {strides = array<i32>} : memref<4096xf32, #tpu.memory_space<vmem>>, vector<16xf32>,
      tpu.vector_store %arg6[%swap3A_111], %broadcast_in_dim3A_3 {strides = array<i32>} : memref<4096xf32, #tpu.memory_space<vmem>>, vector<16xf32>,
      %mul3A_113 = arith.constant 256 : i32
      %mul3A_114 = arith.muli %scan3A_23, %mul3A_113 : i32
      %add3A_115 = arith.constant 240 : i32
      %add3A_116 = arith.addi %mul3A_114, %add3A_115 : i32
      %swap3A_117 = arith.index_cast %add3A_116 : i32 to index
      %swap3A_118 = tpu.vector_load %arg6[%swap3A_117] {strides = array<i32>} : memref<4096xf32, #tpu.memory_space<vmem>>, vector<16xf32>,
      tpu.vector_store %arg6[%swap3A_117], %broadcast_in_dim3A_3 {strides = array<i32>} : memref<4096xf32, #tpu.memory_space<vmem>>, vector<16xf32>,
    }
    %scan3A_13 = arith.constant 16 : i32
    %add3A_14 = arith.constant 0 : i32
    %add3A_15 = arith.addi %mul3A_2, %add3A_14 : i32
    %dma_start3A = tpu.memref_slice %arg2[%add3A_15] : memref<16777216xf32, #tpu.memory_space<hbm>> -> memref<32768xf32, #tpu.memory_space<hbm>>
    %dma_start3A_16 = tpu.memref_slice %arg2[%add3A_15] : memref<16777216xf32, #tpu.memory_space<hbm>> -> memref<32768xf32, #tpu.memory_space<hbm>>
    tpu.enqueue_dma source(%dma_start3A_16 : memref<32768xf32, #tpu.memory_space<hbm>>) target(%arg4 : memref<32768xf32, #tpu.memory_space<vmem>>) target_semaphore(%arg7 : memref<!tpu.dma_semaphore, #tpu.memory_space<semaphore_mem>>)
    %scan3A_17 = arith.constant 0 : i32
    %scan3A_18 = arith.constant 0 : i32
    %scan3A_19 = arith.constant 8 : i32
    %scan3A_20 = arith.addi %scan3A_18, %scan3A_19 : i32
    %scan3A_21 = arith.constant 1 : i32
    scf.for %scan3A_23 = %scan3A_18 to %scan3A_20 step %scan3A_21  : i32 {
      %mul3A_24 = arith.constant 2 : i32
      %mul3A_25 = arith.muli %mul3A_24, %scan3A_23 : i32
      %dma_wait3A = tpu.memref_slice %arg2[%mul3A_2] : memref<16777216xf32, #tpu.memory_space<hbm>> -> memref<32768xf32, #tpu.memory_space<hbm>>
      %dma_wait3A_26 = tpu.memref_slice %arg2[%mul3A_2] : memref<16777216xf32, #tpu.memory_space<hbm>> -> memref<32768xf32, #tpu.memory_space<hbm>>
      tpu.wait_dma2 semaphore(%arg7 : memref<!tpu.dma_semaphore, #tpu.memory_space<semaphore_mem>>) src(%dma_wait3A_26 : memref<32768xf32, #tpu.memory_space<hbm>>) dst(%arg4 : memref<32768xf32, #tpu.memory_space<vmem>>)
      %add3A_27 = arith.constant 1 : i32
      %add3A_28 = arith.addi %mul3A_25, %add3A_27 : i32
      %mul3A_29 = arith.constant 32768 : i32
      %mul3A_30 = arith.muli %add3A_28, %mul3A_29 : i32
      %add3A_31 = arith.addi %mul3A_2, %mul3A_30 : i32
      %dma_start3A_32 = tpu.memref_slice %arg2[%add3A_31] : memref<16777216xf32, #tpu.memory_space<hbm>> -> memref<32768xf32, #tpu.memory_space<hbm>>
      %dma_start3A_33 = tpu.memref_slice %arg2[%add3A_31] : memref<16777216xf32, #tpu.memory_space<hbm>> -> memref<32768xf32, #tpu.memory_space<hbm>>
      tpu.enqueue_dma source(%dma_start3A_33 : memref<32768xf32, #tpu.memory_space<hbm>>) target(%arg5 : memref<32768xf32, #tpu.memory_space<vmem>>) target_semaphore(%arg8 : memref<!tpu.dma_semaphore, #tpu.memory_space<semaphore_mem>>)
      %scan3A_34 = arith.constant 0 : i32
      %scan3A_35 = arith.constant 0 : i32
      %scan3A_36 = arith.constant 128 : i32
      %scan3A_37 = arith.addi %scan3A_35, %scan3A_36 : i32
      %scan3A_38 = arith.constant 1 : i32
      scf.for %scan3A_53 = %scan3A_35 to %scan3A_37 step %scan3A_38  : i32 {
        %mul3A_54 = arith.constant 256 : i32
        %mul3A_55 = arith.muli %scan3A_53, %mul3A_54 : i32
        %add3A_56 = arith.constant 0 : i32
        %add3A_57 = arith.addi %mul3A_55, %add3A_56 : i32
        %get3A = arith.index_cast %add3A_57 : i32 to index
        %get3A_58 = tpu.vector_load %arg4[%get3A] {strides = array<i32>} : memref<32768xf32, #tpu.memory_space<vmem>>, vector<16xf32>,
        %add3A_59 = arith.constant 16 : i32
        %add3A_60 = arith.addi %mul3A_55, %add3A_59 : i32
        %get3A_61 = arith.index_cast %add3A_60 : i32 to index
        %get3A_62 = tpu.vector_load %arg4[%get3A_61] {strides = array<i32>} : memref<32768xf32, #tpu.memory_space<vmem>>, vector<16xf32>,
        %add3A_63 = arith.constant 32 : i32
        %add3A_64 = arith.addi %mul3A_55, %add3A_63 : i32
        %get3A_65 = arith.index_cast %add3A_64 : i32 to index
        %get3A_66 = tpu.vector_load %arg4[%get3A_65] {strides = array<i32>} : memref<32768xf32, #tpu.memory_space<vmem>>, vector<16xf32>,
        %add3A_67 = arith.constant 48 : i32
        %add3A_68 = arith.addi %mul3A_55, %add3A_67 : i32
        %get3A_69 = arith.index_cast %add3A_68 : i32 to index
        %get3A_70 = tpu.vector_load %arg4[%get3A_69] {strides = array<i32>} : memref<32768xf32, #tpu.memory_space<vmem>>, vector<16xf32>,
        %add3A_71 = arith.constant 64 : i32
        %add3A_72 = arith.addi %mul3A_55, %add3A_71 : i32
        %get3A_73 = arith.index_cast %add3A_72 : i32 to index
        %get3A_74 = tpu.vector_load %arg4[%get3A_73] {strides = array<i32>} : memref<32768xf32, #tpu.memory_space<vmem>>, vector<16xf32>,
        %add3A_75 = arith.constant 80 : i32
        %add3A_76 = arith.addi %mul3A_55, %add3A_75 : i32
        %get3A_77 = arith.index_cast %add3A_76 : i32 to index
        %get3A_78 = tpu.vector_load %arg4[%get3A_77] {strides = array<i32>} : memref<32768xf32, #tpu.memory_space<vmem>>, vector<16xf32>,
        %add3A_79 = arith.constant 96 : i32
        %add3A_80 = arith.addi %mul3A_55, %add3A_79 : i32
        %get3A_81 = arith.index_cast %add3A_80 : i32 to index
        %get3A_82 = tpu.vector_load %arg4[%get3A_81] {strides = array<i32>} : memref<32768xf32, #tpu.memory_space<vmem>>, vector<16xf32>,
        %add3A_83 = arith.constant 112 : i32
        %add3A_84 = arith.addi %mul3A_55, %add3A_83 : i32
        %get3A_85 = arith.index_cast %add3A_84 : i32 to index
        %get3A_86 = tpu.vector_load %arg4[%get3A_85] {strides = array<i32>} : memref<32768xf32, #tpu.memory_space<vmem>>, vector<16xf32>,
        %add3A_87 = arith.constant 128 : i32
        %add3A_88 = arith.addi %mul3A_55, %add3A_87 : i32
        %get3A_89 = arith.index_cast %add3A_88 : i32 to index
        %get3A_90 = tpu.vector_load %arg4[%get3A_89] {strides = array<i32>} : memref<32768xf32, #tpu.memory_space<vmem>>, vector<16xf32>,
        %add3A_91 = arith.constant 144 : i32
        %add3A_92 = arith.addi %mul3A_55, %add3A_91 : i32
        %get3A_93 = arith.index_cast %add3A_92 : i32 to index
        %get3A_94 = tpu.vector_load %arg4[%get3A_93] {strides = array<i32>} : memref<32768xf32, #tpu.memory_space<vmem>>, vector<16xf32>,
        %add3A_95 = arith.constant 160 : i32
        %add3A_96 = arith.addi %mul3A_55, %add3A_95 : i32
        %get3A_97 = arith.index_cast %add3A_96 : i32 to index
        %get3A_98 = tpu.vector_load %arg4[%get3A_97] {strides = array<i32>} : memref<32768xf32, #tpu.memory_space<vmem>>, vector<16xf32>,
        %add3A_99 = arith.constant 176 : i32
        %add3A_100 = arith.addi %mul3A_55, %add3A_99 : i32
        %get3A_101 = arith.index_cast %add3A_100 : i32 to index
        %get3A_102 = tpu.vector_load %arg4[%get3A_101] {strides = array<i32>} : memref<32768xf32, #tpu.memory_space<vmem>>, vector<16xf32>,
        %add3A_103 = arith.constant 192 : i32
        %add3A_104 = arith.addi %mul3A_55, %add3A_103 : i32
        %get3A_105 = arith.index_cast %add3A_104 : i32 to index
        %get3A_106 = tpu.vector_load %arg4[%get3A_105] {strides = array<i32>} : memref<32768xf32, #tpu.memory_space<vmem>>, vector<16xf32>,
        %add3A_107 = arith.constant 208 : i32
        %add3A_108 = arith.addi %mul3A_55, %add3A_107 : i32
        %get3A_109 = arith.index_cast %add3A_108 : i32 to index
        %get3A_110 = tpu.vector_load %arg4[%get3A_109] {strides = array<i32>} : memref<32768xf32, #tpu.memory_space<vmem>>, vector<16xf32>,
        %add3A_111 = arith.constant 224 : i32
        %add3A_112 = arith.addi %mul3A_55, %add3A_111 : i32
        %get3A_113 = arith.index_cast %add3A_112 : i32 to index
        %get3A_114 = tpu.vector_load %arg4[%get3A_113] {strides = array<i32>} : memref<32768xf32, #tpu.memory_space<vmem>>, vector<16xf32>,
        %add3A_115 = arith.constant 240 : i32
        %add3A_116 = arith.addi %mul3A_55, %add3A_115 : i32
        %get3A_117 = arith.index_cast %add3A_116 : i32 to index
        %get3A_118 = tpu.vector_load %arg4[%get3A_117] {strides = array<i32>} : memref<32768xf32, #tpu.memory_space<vmem>>, vector<16xf32>,
        %mul3A_119 = arith.constant 1.600000e+01 : f32
        %mul3A_120 = vector.broadcast %mul3A_119 : f32 to vector<16xf32>
        %mul3A_121 = arith.mulf %get3A_58, %mul3A_120 : vector<16xf32>
        %add3A_122 = arith.addf %mul3A_121, %add3A_8 : vector<16xf32>
        %mul3A_123 = arith.constant 1.600000e+01 : f32
        %mul3A_124 = vector.broadcast %mul3A_123 : f32 to vector<16xf32>
        %mul3A_125 = arith.mulf %get3A_62, %mul3A_124 : vector<16xf32>
        %add3A_126 = arith.addf %mul3A_125, %add3A_8 : vector<16xf32>
        %mul3A_127 = arith.constant 1.600000e+01 : f32
        %mul3A_128 = vector.broadcast %mul3A_127 : f32 to vector<16xf32>
        %mul3A_129 = arith.mulf %get3A_66, %mul3A_128 : vector<16xf32>
        %add3A_130 = arith.addf %mul3A_129, %add3A_8 : vector<16xf32>
        %mul3A_131 = arith.constant 1.600000e+01 : f32
        %mul3A_132 = vector.broadcast %mul3A_131 : f32 to vector<16xf32>
        %mul3A_133 = arith.mulf %get3A_70, %mul3A_132 : vector<16xf32>
        %add3A_134 = arith.addf %mul3A_133, %add3A_8 : vector<16xf32>
        %mul3A_135 = arith.constant 1.600000e+01 : f32
        %mul3A_136 = vector.broadcast %mul3A_135 : f32 to vector<16xf32>
        %mul3A_137 = arith.mulf %get3A_74, %mul3A_136 : vector<16xf32>
        %add3A_138 = arith.addf %mul3A_137, %add3A_8 : vector<16xf32>
        %mul3A_139 = arith.constant 1.600000e+01 : f32
        %mul3A_140 = vector.broadcast %mul3A_139 : f32 to vector<16xf32>
        %mul3A_141 = arith.mulf %get3A_78, %mul3A_140 : vector<16xf32>
        %add3A_142 = arith.addf %mul3A_141, %add3A_8 : vector<16xf32>
        %mul3A_143 = arith.constant 1.600000e+01 : f32
        %mul3A_144 = vector.broadcast %mul3A_143 : f32 to vector<16xf32>
        %mul3A_145 = arith.mulf %get3A_82, %mul3A_144 : vector<16xf32>
        %add3A_146 = arith.addf %mul3A_145, %add3A_8 : vector<16xf32>
        %mul3A_147 = arith.constant 1.600000e+01 : f32
        %mul3A_148 = vector.broadcast %mul3A_147 : f32 to vector<16xf32>
        %mul3A_149 = arith.mulf %get3A_86, %mul3A_148 : vector<16xf32>
        %add3A_150 = arith.addf %mul3A_149, %add3A_8 : vector<16xf32>
        %mul3A_151 = arith.constant 1.600000e+01 : f32
        %mul3A_152 = vector.broadcast %mul3A_151 : f32 to vector<16xf32>
        %mul3A_153 = arith.mulf %get3A_90, %mul3A_152 : vector<16xf32>
        %add3A_154 = arith.addf %mul3A_153, %add3A_8 : vector<16xf32>
        %mul3A_155 = arith.constant 1.600000e+01 : f32
        %mul3A_156 = vector.broadcast %mul3A_155 : f32 to vector<16xf32>
        %mul3A_157 = arith.mulf %get3A_94, %mul3A_156 : vector<16xf32>
        %add3A_158 = arith.addf %mul3A_157, %add3A_8 : vector<16xf32>
        %mul3A_159 = arith.constant 1.600000e+01 : f32
        %mul3A_160 = vector.broadcast %mul3A_159 : f32 to vector<16xf32>
        %mul3A_161 = arith.mulf %get3A_98, %mul3A_160 : vector<16xf32>
        %add3A_162 = arith.addf %mul3A_161, %add3A_8 : vector<16xf32>
        %mul3A_163 = arith.constant 1.600000e+01 : f32
        %mul3A_164 = vector.broadcast %mul3A_163 : f32 to vector<16xf32>
        %mul3A_165 = arith.mulf %get3A_102, %mul3A_164 : vector<16xf32>
        %add3A_166 = arith.addf %mul3A_165, %add3A_8 : vector<16xf32>
        %mul3A_167 = arith.constant 1.600000e+01 : f32
        %mul3A_168 = vector.broadcast %mul3A_167 : f32 to vector<16xf32>
        %mul3A_169 = arith.mulf %get3A_106, %mul3A_168 : vector<16xf32>
        %add3A_170 = arith.addf %mul3A_169, %add3A_8 : vector<16xf32>
        %mul3A_171 = arith.constant 1.600000e+01 : f32
        %mul3A_172 = vector.broadcast %mul3A_171 : f32 to vector<16xf32>
        %mul3A_173 = arith.mulf %get3A_110, %mul3A_172 : vector<16xf32>
        %add3A_174 = arith.addf %mul3A_173, %add3A_8 : vector<16xf32>
        %mul3A_175 = arith.constant 1.600000e+01 : f32
        %mul3A_176 = vector.broadcast %mul3A_175 : f32 to vector<16xf32>
        %mul3A_177 = arith.mulf %get3A_114, %mul3A_176 : vector<16xf32>
        %add3A_178 = arith.addf %mul3A_177, %add3A_8 : vector<16xf32>
        %mul3A_179 = arith.constant 1.600000e+01 : f32
        %mul3A_180 = vector.broadcast %mul3A_179 : f32 to vector<16xf32>
        %mul3A_181 = arith.mulf %get3A_118, %mul3A_180 : vector<16xf32>
        %add3A_182 = arith.addf %mul3A_181, %add3A_8 : vector<16xf32>
        %bitcast3A = vector.bitcast %add3A_122 : vector<16xf32> to vector<16xi32>
        %and3A = arith.constant 4095 : i32
        %and3A_183 = vector.broadcast %and3A : i32 to vector<16xi32>
        %and3A_184 = arith.andi %bitcast3A, %and3A_183 : vector<16xi32>
        %bitcast3A_185 = vector.bitcast %add3A_126 : vector<16xf32> to vector<16xi32>
        %and3A_186 = arith.constant 4095 : i32
        %and3A_187 = vector.broadcast %and3A_186 : i32 to vector<16xi32>
        %and3A_188 = arith.andi %bitcast3A_185, %and3A_187 : vector<16xi32>
        %bitcast3A_189 = vector.bitcast %add3A_130 : vector<16xf32> to vector<16xi32>
        %and3A_190 = arith.constant 4095 : i32
        %and3A_191 = vector.broadcast %and3A_190 : i32 to vector<16xi32>
        %and3A_192 = arith.andi %bitcast3A_189, %and3A_191 : vector<16xi32>
        %bitcast3A_193 = vector.bitcast %add3A_134 : vector<16xf32> to vector<16xi32>
        %and3A_194 = arith.constant 4095 : i32
        %and3A_195 = vector.broadcast %and3A_194 : i32 to vector<16xi32>
        %and3A_196 = arith.andi %bitcast3A_193, %and3A_195 : vector<16xi32>
        %bitcast3A_197 = vector.bitcast %add3A_138 : vector<16xf32> to vector<16xi32>
        %and3A_198 = arith.constant 4095 : i32
        %and3A_199 = vector.broadcast %and3A_198 : i32 to vector<16xi32>
        %and3A_200 = arith.andi %bitcast3A_197, %and3A_199 : vector<16xi32>
        %bitcast3A_201 = vector.bitcast %add3A_142 : vector<16xf32> to vector<16xi32>
        %and3A_202 = arith.constant 4095 : i32
        %and3A_203 = vector.broadcast %and3A_202 : i32 to vector<16xi32>
        %and3A_204 = arith.andi %bitcast3A_201, %and3A_203 : vector<16xi32>
        %bitcast3A_205 = vector.bitcast %add3A_146 : vector<16xf32> to vector<16xi32>
        %and3A_206 = arith.constant 4095 : i32
        %and3A_207 = vector.broadcast %and3A_206 : i32 to vector<16xi32>
        %and3A_208 = arith.andi %bitcast3A_205, %and3A_207 : vector<16xi32>
        %bitcast3A_209 = vector.bitcast %add3A_150 : vector<16xf32> to vector<16xi32>
        %and3A_210 = arith.constant 4095 : i32
        %and3A_211 = vector.broadcast %and3A_210 : i32 to vector<16xi32>
        %and3A_212 = arith.andi %bitcast3A_209, %and3A_211 : vector<16xi32>
        %bitcast3A_213 = vector.bitcast %add3A_154 : vector<16xf32> to vector<16xi32>
        %and3A_214 = arith.constant 4095 : i32
        %and3A_215 = vector.broadcast %and3A_214 : i32 to vector<16xi32>
        %and3A_216 = arith.andi %bitcast3A_213, %and3A_215 : vector<16xi32>
        %bitcast3A_217 = vector.bitcast %add3A_158 : vector<16xf32> to vector<16xi32>
        %and3A_218 = arith.constant 4095 : i32
        %and3A_219 = vector.broadcast %and3A_218 : i32 to vector<16xi32>
        %and3A_220 = arith.andi %bitcast3A_217, %and3A_219 : vector<16xi32>
        %bitcast3A_221 = vector.bitcast %add3A_162 : vector<16xf32> to vector<16xi32>
        %and3A_222 = arith.constant 4095 : i32
        %and3A_223 = vector.broadcast %and3A_222 : i32 to vector<16xi32>
        %and3A_224 = arith.andi %bitcast3A_221, %and3A_223 : vector<16xi32>
        %bitcast3A_225 = vector.bitcast %add3A_166 : vector<16xf32> to vector<16xi32>
        %and3A_226 = arith.constant 4095 : i32
        %and3A_227 = vector.broadcast %and3A_226 : i32 to vector<16xi32>
        %and3A_228 = arith.andi %bitcast3A_225, %and3A_227 : vector<16xi32>
        %bitcast3A_229 = vector.bitcast %add3A_170 : vector<16xf32> to vector<16xi32>
        %and3A_230 = arith.constant 4095 : i32
        %and3A_231 = vector.broadcast %and3A_230 : i32 to vector<16xi32>
        %and3A_232 = arith.andi %bitcast3A_229, %and3A_231 : vector<16xi32>
        %bitcast3A_233 = vector.bitcast %add3A_174 : vector<16xf32> to vector<16xi32>
        %and3A_234 = arith.constant 4095 : i32
        %and3A_235 = vector.broadcast %and3A_234 : i32 to vector<16xi32>
        %and3A_236 = arith.andi %bitcast3A_233, %and3A_235 : vector<16xi32>
        %bitcast3A_237 = vector.bitcast %add3A_178 : vector<16xf32> to vector<16xi32>
        %and3A_238 = arith.constant 4095 : i32
        %and3A_239 = vector.broadcast %and3A_238 : i32 to vector<16xi32>
        %and3A_240 = arith.andi %bitcast3A_237, %and3A_239 : vector<16xi32>
        %bitcast3A_241 = vector.bitcast %add3A_182 : vector<16xf32> to vector<16xi32>
        %and3A_242 = arith.constant 4095 : i32
        %and3A_243 = vector.broadcast %and3A_242 : i32 to vector<16xi32>
        %and3A_244 = arith.andi %bitcast3A_241, %and3A_243 : vector<16xi32>
        tpu.vector_store_idx %arg6[%and3A_184], %broadcast_in_dim3A_5 {add = true} : memref<4096xf32, #tpu.memory_space<vmem>>[vector<16xi32>], vector<16xf32>,
        tpu.vector_store_idx %arg6[%and3A_188], %broadcast_in_dim3A_5 {add = true} : memref<4096xf32, #tpu.memory_space<vmem>>[vector<16xi32>], vector<16xf32>,
        tpu.vector_store_idx %arg6[%and3A_192], %broadcast_in_dim3A_5 {add = true} : memref<4096xf32, #tpu.memory_space<vmem>>[vector<16xi32>], vector<16xf32>,
        tpu.vector_store_idx %arg6[%and3A_196], %broadcast_in_dim3A_5 {add = true} : memref<4096xf32, #tpu.memory_space<vmem>>[vector<16xi32>], vector<16xf32>,
        tpu.vector_store_idx %arg6[%and3A_200], %broadcast_in_dim3A_5 {add = true} : memref<4096xf32, #tpu.memory_space<vmem>>[vector<16xi32>], vector<16xf32>,
        tpu.vector_store_idx %arg6[%and3A_204], %broadcast_in_dim3A_5 {add = true} : memref<4096xf32, #tpu.memory_space<vmem>>[vector<16xi32>], vector<16xf32>,
        tpu.vector_store_idx %arg6[%and3A_208], %broadcast_in_dim3A_5 {add = true} : memref<4096xf32, #tpu.memory_space<vmem>>[vector<16xi32>], vector<16xf32>,
        tpu.vector_store_idx %arg6[%and3A_212], %broadcast_in_dim3A_5 {add = true} : memref<4096xf32, #tpu.memory_space<vmem>>[vector<16xi32>], vector<16xf32>,
        tpu.vector_store_idx %arg6[%and3A_216], %broadcast_in_dim3A_5 {add = true} : memref<4096xf32, #tpu.memory_space<vmem>>[vector<16xi32>], vector<16xf32>,
        tpu.vector_store_idx %arg6[%and3A_220], %broadcast_in_dim3A_5 {add = true} : memref<4096xf32, #tpu.memory_space<vmem>>[vector<16xi32>], vector<16xf32>,
        tpu.vector_store_idx %arg6[%and3A_224], %broadcast_in_dim3A_5 {add = true} : memref<4096xf32, #tpu.memory_space<vmem>>[vector<16xi32>], vector<16xf32>,
        tpu.vector_store_idx %arg6[%and3A_228], %broadcast_in_dim3A_5 {add = true} : memref<4096xf32, #tpu.memory_space<vmem>>[vector<16xi32>], vector<16xf32>,
        tpu.vector_store_idx %arg6[%and3A_232], %broadcast_in_dim3A_5 {add = true} : memref<4096xf32, #tpu.memory_space<vmem>>[vector<16xi32>], vector<16xf32>,
        tpu.vector_store_idx %arg6[%and3A_236], %broadcast_in_dim3A_5 {add = true} : memref<4096xf32, #tpu.memory_space<vmem>>[vector<16xi32>], vector<16xf32>,
        tpu.vector_store_idx %arg6[%and3A_240], %broadcast_in_dim3A_5 {add = true} : memref<4096xf32, #tpu.memory_space<vmem>>[vector<16xi32>], vector<16xf32>,
        tpu.vector_store_idx %arg6[%and3A_244], %broadcast_in_dim3A_5 {add = true} : memref<4096xf32, #tpu.memory_space<vmem>>[vector<16xi32>], vector<16xf32>,
      }
      %scan3A_39 = arith.constant 128 : i32
      %dma_wait3A_40 = tpu.memref_slice %arg2[%mul3A_2] : memref<16777216xf32, #tpu.memory_space<hbm>> -> memref<32768xf32, #tpu.memory_space<hbm>>
      %dma_wait3A_41 = tpu.memref_slice %arg2[%mul3A_2] : memref<16777216xf32, #tpu.memory_space<hbm>> -> memref<32768xf32, #tpu.memory_space<hbm>>
      tpu.wait_dma2 semaphore(%arg8 : memref<!tpu.dma_semaphore, #tpu.memory_space<semaphore_mem>>) src(%dma_wait3A_41 : memref<32768xf32, #tpu.memory_space<hbm>>) dst(%arg5 : memref<32768xf32, #tpu.memory_space<vmem>>)
      %add3A_42 = arith.constant 2 : i32
      %add3A_43 = arith.addi %mul3A_25, %add3A_42 : i32
      %lt3A = arith.constant 16 : i32
      %lt3A_44 = arith.cmpi slt, %add3A_43, %lt3A : i32
      %convert_element_type3A_45 = arith.extui %lt3A_44 : i1 to i32
      %cond3A = arith.constant 0 : i32
      %cond3A_46 = arith.cmpi ne, %convert_element_type3A_45, %cond3A : i32
      scf.if %cond3A_46 {
        %add3A_53 = arith.constant 2 : i32
        %add3A_54 = arith.addi %mul3A_25, %add3A_53 : i32
        %mul3A_55 = arith.constant 32768 : i32
        %mul3A_56 = arith.muli %add3A_54, %mul3A_55 : i32
        %add3A_57 = arith.addi %mul3A_2, %mul3A_56 : i32
        %dma_start3A_58 = tpu.memref_slice %arg2[%add3A_57] : memref<16777216xf32, #tpu.memory_space<hbm>> -> memref<32768xf32, #tpu.memory_space<hbm>>
        %dma_start3A_59 = tpu.memref_slice %arg2[%add3A_57] : memref<16777216xf32, #tpu.memory_space<hbm>> -> memref<32768xf32, #tpu.memory_space<hbm>>
        tpu.enqueue_dma source(%dma_start3A_59 : memref<32768xf32, #tpu.memory_space<hbm>>) target(%arg4 : memref<32768xf32, #tpu.memory_space<vmem>>) target_semaphore(%arg7 : memref<!tpu.dma_semaphore, #tpu.memory_space<semaphore_mem>>)
      } else {
      }
      %scan3A_47 = arith.constant 0 : i32
      %scan3A_48 = arith.constant 0 : i32
      %scan3A_49 = arith.constant 128 : i32
      %scan3A_50 = arith.addi %scan3A_48, %scan3A_49 : i32
      %scan3A_51 = arith.constant 1 : i32
      scf.for %scan3A_53 = %scan3A_48 to %scan3A_50 step %scan3A_51  : i32 {
        %mul3A_54 = arith.constant 256 : i32
        %mul3A_55 = arith.muli %scan3A_53, %mul3A_54 : i32
        %add3A_56 = arith.constant 0 : i32
        %add3A_57 = arith.addi %mul3A_55, %add3A_56 : i32
        %get3A = arith.index_cast %add3A_57 : i32 to index
        %get3A_58 = tpu.vector_load %arg5[%get3A] {strides = array<i32>} : memref<32768xf32, #tpu.memory_space<vmem>>, vector<16xf32>,
        %add3A_59 = arith.constant 16 : i32
        %add3A_60 = arith.addi %mul3A_55, %add3A_59 : i32
        %get3A_61 = arith.index_cast %add3A_60 : i32 to index
        %get3A_62 = tpu.vector_load %arg5[%get3A_61] {strides = array<i32>} : memref<32768xf32, #tpu.memory_space<vmem>>, vector<16xf32>,
        %add3A_63 = arith.constant 32 : i32
        %add3A_64 = arith.addi %mul3A_55, %add3A_63 : i32
        %get3A_65 = arith.index_cast %add3A_64 : i32 to index
        %get3A_66 = tpu.vector_load %arg5[%get3A_65] {strides = array<i32>} : memref<32768xf32, #tpu.memory_space<vmem>>, vector<16xf32>,
        %add3A_67 = arith.constant 48 : i32
        %add3A_68 = arith.addi %mul3A_55, %add3A_67 : i32
        %get3A_69 = arith.index_cast %add3A_68 : i32 to index
        %get3A_70 = tpu.vector_load %arg5[%get3A_69] {strides = array<i32>} : memref<32768xf32, #tpu.memory_space<vmem>>, vector<16xf32>,
        %add3A_71 = arith.constant 64 : i32
        %add3A_72 = arith.addi %mul3A_55, %add3A_71 : i32
        %get3A_73 = arith.index_cast %add3A_72 : i32 to index
        %get3A_74 = tpu.vector_load %arg5[%get3A_73] {strides = array<i32>} : memref<32768xf32, #tpu.memory_space<vmem>>, vector<16xf32>,
        %add3A_75 = arith.constant 80 : i32
        %add3A_76 = arith.addi %mul3A_55, %add3A_75 : i32
        %get3A_77 = arith.index_cast %add3A_76 : i32 to index
        %get3A_78 = tpu.vector_load %arg5[%get3A_77] {strides = array<i32>} : memref<32768xf32, #tpu.memory_space<vmem>>, vector<16xf32>,
        %add3A_79 = arith.constant 96 : i32
        %add3A_80 = arith.addi %mul3A_55, %add3A_79 : i32
        %get3A_81 = arith.index_cast %add3A_80 : i32 to index
        %get3A_82 = tpu.vector_load %arg5[%get3A_81] {strides = array<i32>} : memref<32768xf32, #tpu.memory_space<vmem>>, vector<16xf32>,
        %add3A_83 = arith.constant 112 : i32
        %add3A_84 = arith.addi %mul3A_55, %add3A_83 : i32
        %get3A_85 = arith.index_cast %add3A_84 : i32 to index
        %get3A_86 = tpu.vector_load %arg5[%get3A_85] {strides = array<i32>} : memref<32768xf32, #tpu.memory_space<vmem>>, vector<16xf32>,
        %add3A_87 = arith.constant 128 : i32
        %add3A_88 = arith.addi %mul3A_55, %add3A_87 : i32
        %get3A_89 = arith.index_cast %add3A_88 : i32 to index
        %get3A_90 = tpu.vector_load %arg5[%get3A_89] {strides = array<i32>} : memref<32768xf32, #tpu.memory_space<vmem>>, vector<16xf32>,
        %add3A_91 = arith.constant 144 : i32
        %add3A_92 = arith.addi %mul3A_55, %add3A_91 : i32
        %get3A_93 = arith.index_cast %add3A_92 : i32 to index
        %get3A_94 = tpu.vector_load %arg5[%get3A_93] {strides = array<i32>} : memref<32768xf32, #tpu.memory_space<vmem>>, vector<16xf32>,
        %add3A_95 = arith.constant 160 : i32
        %add3A_96 = arith.addi %mul3A_55, %add3A_95 : i32
        %get3A_97 = arith.index_cast %add3A_96 : i32 to index
        %get3A_98 = tpu.vector_load %arg5[%get3A_97] {strides = array<i32>} : memref<32768xf32, #tpu.memory_space<vmem>>, vector<16xf32>,
        %add3A_99 = arith.constant 176 : i32
        %add3A_100 = arith.addi %mul3A_55, %add3A_99 : i32
        %get3A_101 = arith.index_cast %add3A_100 : i32 to index
        %get3A_102 = tpu.vector_load %arg5[%get3A_101] {strides = array<i32>} : memref<32768xf32, #tpu.memory_space<vmem>>, vector<16xf32>,
        %add3A_103 = arith.constant 192 : i32
        %add3A_104 = arith.addi %mul3A_55, %add3A_103 : i32
        %get3A_105 = arith.index_cast %add3A_104 : i32 to index
        %get3A_106 = tpu.vector_load %arg5[%get3A_105] {strides = array<i32>} : memref<32768xf32, #tpu.memory_space<vmem>>, vector<16xf32>,
        %add3A_107 = arith.constant 208 : i32
        %add3A_108 = arith.addi %mul3A_55, %add3A_107 : i32
        %get3A_109 = arith.index_cast %add3A_108 : i32 to index
        %get3A_110 = tpu.vector_load %arg5[%get3A_109] {strides = array<i32>} : memref<32768xf32, #tpu.memory_space<vmem>>, vector<16xf32>,
        %add3A_111 = arith.constant 224 : i32
        %add3A_112 = arith.addi %mul3A_55, %add3A_111 : i32
        %get3A_113 = arith.index_cast %add3A_112 : i32 to index
        %get3A_114 = tpu.vector_load %arg5[%get3A_113] {strides = array<i32>} : memref<32768xf32, #tpu.memory_space<vmem>>, vector<16xf32>,
        %add3A_115 = arith.constant 240 : i32
        %add3A_116 = arith.addi %mul3A_55, %add3A_115 : i32
        %get3A_117 = arith.index_cast %add3A_116 : i32 to index
        %get3A_118 = tpu.vector_load %arg5[%get3A_117] {strides = array<i32>} : memref<32768xf32, #tpu.memory_space<vmem>>, vector<16xf32>,
        %mul3A_119 = arith.constant 1.600000e+01 : f32
        %mul3A_120 = vector.broadcast %mul3A_119 : f32 to vector<16xf32>
        %mul3A_121 = arith.mulf %get3A_58, %mul3A_120 : vector<16xf32>
        %add3A_122 = arith.addf %mul3A_121, %add3A_8 : vector<16xf32>
        %mul3A_123 = arith.constant 1.600000e+01 : f32
        %mul3A_124 = vector.broadcast %mul3A_123 : f32 to vector<16xf32>
        %mul3A_125 = arith.mulf %get3A_62, %mul3A_124 : vector<16xf32>
        %add3A_126 = arith.addf %mul3A_125, %add3A_8 : vector<16xf32>
        %mul3A_127 = arith.constant 1.600000e+01 : f32
        %mul3A_128 = vector.broadcast %mul3A_127 : f32 to vector<16xf32>
        %mul3A_129 = arith.mulf %get3A_66, %mul3A_128 : vector<16xf32>
        %add3A_130 = arith.addf %mul3A_129, %add3A_8 : vector<16xf32>
        %mul3A_131 = arith.constant 1.600000e+01 : f32
        %mul3A_132 = vector.broadcast %mul3A_131 : f32 to vector<16xf32>
        %mul3A_133 = arith.mulf %get3A_70, %mul3A_132 : vector<16xf32>
        %add3A_134 = arith.addf %mul3A_133, %add3A_8 : vector<16xf32>
        %mul3A_135 = arith.constant 1.600000e+01 : f32
        %mul3A_136 = vector.broadcast %mul3A_135 : f32 to vector<16xf32>
        %mul3A_137 = arith.mulf %get3A_74, %mul3A_136 : vector<16xf32>
        %add3A_138 = arith.addf %mul3A_137, %add3A_8 : vector<16xf32>
        %mul3A_139 = arith.constant 1.600000e+01 : f32
        %mul3A_140 = vector.broadcast %mul3A_139 : f32 to vector<16xf32>
        %mul3A_141 = arith.mulf %get3A_78, %mul3A_140 : vector<16xf32>
        %add3A_142 = arith.addf %mul3A_141, %add3A_8 : vector<16xf32>
        %mul3A_143 = arith.constant 1.600000e+01 : f32
        %mul3A_144 = vector.broadcast %mul3A_143 : f32 to vector<16xf32>
        %mul3A_145 = arith.mulf %get3A_82, %mul3A_144 : vector<16xf32>
        %add3A_146 = arith.addf %mul3A_145, %add3A_8 : vector<16xf32>
        %mul3A_147 = arith.constant 1.600000e+01 : f32
        %mul3A_148 = vector.broadcast %mul3A_147 : f32 to vector<16xf32>
        %mul3A_149 = arith.mulf %get3A_86, %mul3A_148 : vector<16xf32>
        %add3A_150 = arith.addf %mul3A_149, %add3A_8 : vector<16xf32>
        %mul3A_151 = arith.constant 1.600000e+01 : f32
        %mul3A_152 = vector.broadcast %mul3A_151 : f32 to vector<16xf32>
        %mul3A_153 = arith.mulf %get3A_90, %mul3A_152 : vector<16xf32>
        %add3A_154 = arith.addf %mul3A_153, %add3A_8 : vector<16xf32>
        %mul3A_155 = arith.constant 1.600000e+01 : f32
        %mul3A_156 = vector.broadcast %mul3A_155 : f32 to vector<16xf32>
        %mul3A_157 = arith.mulf %get3A_94, %mul3A_156 : vector<16xf32>
        %add3A_158 = arith.addf %mul3A_157, %add3A_8 : vector<16xf32>
        %mul3A_159 = arith.constant 1.600000e+01 : f32
        %mul3A_160 = vector.broadcast %mul3A_159 : f32 to vector<16xf32>
        %mul3A_161 = arith.mulf %get3A_98, %mul3A_160 : vector<16xf32>
        %add3A_162 = arith.addf %mul3A_161, %add3A_8 : vector<16xf32>
        %mul3A_163 = arith.constant 1.600000e+01 : f32
        %mul3A_164 = vector.broadcast %mul3A_163 : f32 to vector<16xf32>
        %mul3A_165 = arith.mulf %get3A_102, %mul3A_164 : vector<16xf32>
        %add3A_166 = arith.addf %mul3A_165, %add3A_8 : vector<16xf32>
        %mul3A_167 = arith.constant 1.600000e+01 : f32
        %mul3A_168 = vector.broadcast %mul3A_167 : f32 to vector<16xf32>
        %mul3A_169 = arith.mulf %get3A_106, %mul3A_168 : vector<16xf32>
        %add3A_170 = arith.addf %mul3A_169, %add3A_8 : vector<16xf32>
        %mul3A_171 = arith.constant 1.600000e+01 : f32
        %mul3A_172 = vector.broadcast %mul3A_171 : f32 to vector<16xf32>
        %mul3A_173 = arith.mulf %get3A_110, %mul3A_172 : vector<16xf32>
        %add3A_174 = arith.addf %mul3A_173, %add3A_8 : vector<16xf32>
        %mul3A_175 = arith.constant 1.600000e+01 : f32
        %mul3A_176 = vector.broadcast %mul3A_175 : f32 to vector<16xf32>
        %mul3A_177 = arith.mulf %get3A_114, %mul3A_176 : vector<16xf32>
        %add3A_178 = arith.addf %mul3A_177, %add3A_8 : vector<16xf32>
        %mul3A_179 = arith.constant 1.600000e+01 : f32
        %mul3A_180 = vector.broadcast %mul3A_179 : f32 to vector<16xf32>
        %mul3A_181 = arith.mulf %get3A_118, %mul3A_180 : vector<16xf32>
        %add3A_182 = arith.addf %mul3A_181, %add3A_8 : vector<16xf32>
        %bitcast3A = vector.bitcast %add3A_122 : vector<16xf32> to vector<16xi32>
        %and3A = arith.constant 4095 : i32
        %and3A_183 = vector.broadcast %and3A : i32 to vector<16xi32>
        %and3A_184 = arith.andi %bitcast3A, %and3A_183 : vector<16xi32>
        %bitcast3A_185 = vector.bitcast %add3A_126 : vector<16xf32> to vector<16xi32>
        %and3A_186 = arith.constant 4095 : i32
        %and3A_187 = vector.broadcast %and3A_186 : i32 to vector<16xi32>
        %and3A_188 = arith.andi %bitcast3A_185, %and3A_187 : vector<16xi32>
        %bitcast3A_189 = vector.bitcast %add3A_130 : vector<16xf32> to vector<16xi32>
        %and3A_190 = arith.constant 4095 : i32
        %and3A_191 = vector.broadcast %and3A_190 : i32 to vector<16xi32>
        %and3A_192 = arith.andi %bitcast3A_189, %and3A_191 : vector<16xi32>
        %bitcast3A_193 = vector.bitcast %add3A_134 : vector<16xf32> to vector<16xi32>
        %and3A_194 = arith.constant 4095 : i32
        %and3A_195 = vector.broadcast %and3A_194 : i32 to vector<16xi32>
        %and3A_196 = arith.andi %bitcast3A_193, %and3A_195 : vector<16xi32>
        %bitcast3A_197 = vector.bitcast %add3A_138 : vector<16xf32> to vector<16xi32>
        %and3A_198 = arith.constant 4095 : i32
        %and3A_199 = vector.broadcast %and3A_198 : i32 to vector<16xi32>
        %and3A_200 = arith.andi %bitcast3A_197, %and3A_199 : vector<16xi32>
        %bitcast3A_201 = vector.bitcast %add3A_142 : vector<16xf32> to vector<16xi32>
        %and3A_202 = arith.constant 4095 : i32
        %and3A_203 = vector.broadcast %and3A_202 : i32 to vector<16xi32>
        %and3A_204 = arith.andi %bitcast3A_201, %and3A_203 : vector<16xi32>
        %bitcast3A_205 = vector.bitcast %add3A_146 : vector<16xf32> to vector<16xi32>
        %and3A_206 = arith.constant 4095 : i32
        %and3A_207 = vector.broadcast %and3A_206 : i32 to vector<16xi32>
        %and3A_208 = arith.andi %bitcast3A_205, %and3A_207 : vector<16xi32>
        %bitcast3A_209 = vector.bitcast %add3A_150 : vector<16xf32> to vector<16xi32>
        %and3A_210 = arith.constant 4095 : i32
        %and3A_211 = vector.broadcast %and3A_210 : i32 to vector<16xi32>
        %and3A_212 = arith.andi %bitcast3A_209, %and3A_211 : vector<16xi32>
        %bitcast3A_213 = vector.bitcast %add3A_154 : vector<16xf32> to vector<16xi32>
        %and3A_214 = arith.constant 4095 : i32
        %and3A_215 = vector.broadcast %and3A_214 : i32 to vector<16xi32>
        %and3A_216 = arith.andi %bitcast3A_213, %and3A_215 : vector<16xi32>
        %bitcast3A_217 = vector.bitcast %add3A_158 : vector<16xf32> to vector<16xi32>
        %and3A_218 = arith.constant 4095 : i32
        %and3A_219 = vector.broadcast %and3A_218 : i32 to vector<16xi32>
        %and3A_220 = arith.andi %bitcast3A_217, %and3A_219 : vector<16xi32>
        %bitcast3A_221 = vector.bitcast %add3A_162 : vector<16xf32> to vector<16xi32>
        %and3A_222 = arith.constant 4095 : i32
        %and3A_223 = vector.broadcast %and3A_222 : i32 to vector<16xi32>
        %and3A_224 = arith.andi %bitcast3A_221, %and3A_223 : vector<16xi32>
        %bitcast3A_225 = vector.bitcast %add3A_166 : vector<16xf32> to vector<16xi32>
        %and3A_226 = arith.constant 4095 : i32
        %and3A_227 = vector.broadcast %and3A_226 : i32 to vector<16xi32>
        %and3A_228 = arith.andi %bitcast3A_225, %and3A_227 : vector<16xi32>
        %bitcast3A_229 = vector.bitcast %add3A_170 : vector<16xf32> to vector<16xi32>
        %and3A_230 = arith.constant 4095 : i32
        %and3A_231 = vector.broadcast %and3A_230 : i32 to vector<16xi32>
        %and3A_232 = arith.andi %bitcast3A_229, %and3A_231 : vector<16xi32>
        %bitcast3A_233 = vector.bitcast %add3A_174 : vector<16xf32> to vector<16xi32>
        %and3A_234 = arith.constant 4095 : i32
        %and3A_235 = vector.broadcast %and3A_234 : i32 to vector<16xi32>
        %and3A_236 = arith.andi %bitcast3A_233, %and3A_235 : vector<16xi32>
        %bitcast3A_237 = vector.bitcast %add3A_178 : vector<16xf32> to vector<16xi32>
        %and3A_238 = arith.constant 4095 : i32
        %and3A_239 = vector.broadcast %and3A_238 : i32 to vector<16xi32>
        %and3A_240 = arith.andi %bitcast3A_237, %and3A_239 : vector<16xi32>
        %bitcast3A_241 = vector.bitcast %add3A_182 : vector<16xf32> to vector<16xi32>
        %and3A_242 = arith.constant 4095 : i32
        %and3A_243 = vector.broadcast %and3A_242 : i32 to vector<16xi32>
        %and3A_244 = arith.andi %bitcast3A_241, %and3A_243 : vector<16xi32>
        tpu.vector_store_idx %arg6[%and3A_184], %broadcast_in_dim3A_5 {add = true} : memref<4096xf32, #tpu.memory_space<vmem>>[vector<16xi32>], vector<16xf32>,
        tpu.vector_store_idx %arg6[%and3A_188], %broadcast_in_dim3A_5 {add = true} : memref<4096xf32, #tpu.memory_space<vmem>>[vector<16xi32>], vector<16xf32>,
        tpu.vector_store_idx %arg6[%and3A_192], %broadcast_in_dim3A_5 {add = true} : memref<4096xf32, #tpu.memory_space<vmem>>[vector<16xi32>], vector<16xf32>,
        tpu.vector_store_idx %arg6[%and3A_196], %broadcast_in_dim3A_5 {add = true} : memref<4096xf32, #tpu.memory_space<vmem>>[vector<16xi32>], vector<16xf32>,
        tpu.vector_store_idx %arg6[%and3A_200], %broadcast_in_dim3A_5 {add = true} : memref<4096xf32, #tpu.memory_space<vmem>>[vector<16xi32>], vector<16xf32>,
        tpu.vector_store_idx %arg6[%and3A_204], %broadcast_in_dim3A_5 {add = true} : memref<4096xf32, #tpu.memory_space<vmem>>[vector<16xi32>], vector<16xf32>,
        tpu.vector_store_idx %arg6[%and3A_208], %broadcast_in_dim3A_5 {add = true} : memref<4096xf32, #tpu.memory_space<vmem>>[vector<16xi32>], vector<16xf32>,
        tpu.vector_store_idx %arg6[%and3A_212], %broadcast_in_dim3A_5 {add = true} : memref<4096xf32, #tpu.memory_space<vmem>>[vector<16xi32>], vector<16xf32>,
        tpu.vector_store_idx %arg6[%and3A_216], %broadcast_in_dim3A_5 {add = true} : memref<4096xf32, #tpu.memory_space<vmem>>[vector<16xi32>], vector<16xf32>,
        tpu.vector_store_idx %arg6[%and3A_220], %broadcast_in_dim3A_5 {add = true} : memref<4096xf32, #tpu.memory_space<vmem>>[vector<16xi32>], vector<16xf32>,
        tpu.vector_store_idx %arg6[%and3A_224], %broadcast_in_dim3A_5 {add = true} : memref<4096xf32, #tpu.memory_space<vmem>>[vector<16xi32>], vector<16xf32>,
        tpu.vector_store_idx %arg6[%and3A_228], %broadcast_in_dim3A_5 {add = true} : memref<4096xf32, #tpu.memory_space<vmem>>[vector<16xi32>], vector<16xf32>,
        tpu.vector_store_idx %arg6[%and3A_232], %broadcast_in_dim3A_5 {add = true} : memref<4096xf32, #tpu.memory_space<vmem>>[vector<16xi32>], vector<16xf32>,
        tpu.vector_store_idx %arg6[%and3A_236], %broadcast_in_dim3A_5 {add = true} : memref<4096xf32, #tpu.memory_space<vmem>>[vector<16xi32>], vector<16xf32>,
        tpu.vector_store_idx %arg6[%and3A_240], %broadcast_in_dim3A_5 {add = true} : memref<4096xf32, #tpu.memory_space<vmem>>[vector<16xi32>], vector<16xf32>,
        tpu.vector_store_idx %arg6[%and3A_244], %broadcast_in_dim3A_5 {add = true} : memref<4096xf32, #tpu.memory_space<vmem>>[vector<16xi32>], vector<16xf32>,
      }
      %scan3A_52 = arith.constant 128 : i32
    }
    %scan3A_22 = arith.constant 8 : i32
    "tpu.region"() ({
      %run_scoped3A = tpu.sem_alloc : memref<!tpu.dma_semaphore, #tpu.memory_space<semaphore_mem>>
      %dma_start3A_23 = arith.constant 0 : i32
      %dma_start3A_24 = tpu.memref_slice %arg3[%add3A, %dma_start3A_23] : memref<32x4096xf32, #tpu.memory_space<hbm>> -> memref<1x4096xf32, #tpu.memory_space<hbm>>
      %dma_start3A_25 = tpu.memref_squeeze %dma_start3A_24 : memref<1x4096xf32, #tpu.memory_space<hbm>> -> memref<4096xf32, #tpu.memory_space<hbm>>
      %dma_start3A_26 = arith.constant 0 : i32
      %dma_start3A_27 = tpu.memref_slice %arg3[%add3A, %dma_start3A_26] : memref<32x4096xf32, #tpu.memory_space<hbm>> -> memref<1x4096xf32, #tpu.memory_space<hbm>>
      %dma_start3A_28 = tpu.memref_squeeze %dma_start3A_27 : memref<1x4096xf32, #tpu.memory_space<hbm>> -> memref<4096xf32, #tpu.memory_space<hbm>>
      tpu.enqueue_dma source(%arg6 : memref<4096xf32, #tpu.memory_space<vmem>>) target(%dma_start3A_28 : memref<4096xf32, #tpu.memory_space<hbm>>) target_semaphore(%run_scoped3A : memref<!tpu.dma_semaphore, #tpu.memory_space<semaphore_mem>>)
      %dma_wait3A = arith.constant 0 : i32
      %dma_wait3A_29 = tpu.memref_slice %arg3[%add3A, %dma_wait3A] : memref<32x4096xf32, #tpu.memory_space<hbm>> -> memref<1x4096xf32, #tpu.memory_space<hbm>>
      %dma_wait3A_30 = tpu.memref_squeeze %dma_wait3A_29 : memref<1x4096xf32, #tpu.memory_space<hbm>> -> memref<4096xf32, #tpu.memory_space<hbm>>
      %dma_wait3A_31 = arith.constant 0 : i32
      %dma_wait3A_32 = tpu.memref_slice %arg3[%add3A, %dma_wait3A_31] : memref<32x4096xf32, #tpu.memory_space<hbm>> -> memref<1x4096xf32, #tpu.memory_space<hbm>>
      %dma_wait3A_33 = tpu.memref_squeeze %dma_wait3A_32 : memref<1x4096xf32, #tpu.memory_space<hbm>> -> memref<4096xf32, #tpu.memory_space<hbm>>
      tpu.wait_dma2 semaphore(%run_scoped3A : memref<!tpu.dma_semaphore, #tpu.memory_space<semaphore_mem>>) src(%arg6 : memref<4096xf32, #tpu.memory_space<vmem>>) dst(%dma_wait3A_33 : memref<4096xf32, #tpu.memory_space<hbm>>)
      tpu.yield
    }) : () -> ()
    return
  }
}

module attributes {stable_mosaic.version = 14 : i64} {
  func.func @_otsu_body(%arg0: memref<32x4096xf32, #tpu.memory_space<vmem>>, %arg1: memref<1x1xf32, #tpu.memory_space<vmem>>) attributes {dimension_semantics = [], scalar_prefetch = 0 : i64, scratch_operands = 0 : i64, tpu.core_type = #tpu.core_type<tc>} {
    %get3A = arith.constant 0 : index
    %get3A_0 = arith.constant 0 : index
    %get3A_1 = vector.load %arg0[%get3A, %get3A_0] : memref<32x4096xf32, #tpu.memory_space<vmem>>, vector<32x4096xf32>
    %reduce_sum3A = arith.constant dense<0.000000e+00> : vector<4096xf32>
    %reduce_sum3A_2 = vector.multi_reduction <add>, %get3A_1, %reduce_sum3A [0] : vector<32x4096xf32> to vector<4096xf32>
    %broadcast_in_dim3A = vector.shape_cast %reduce_sum3A_2 : vector<4096xf32> to vector<1x4096xf32>
    %iota3A = tpu.iota {dimensions = array<i32: 1>} : vector<1x4096xi32>
    %shift_right_arithmetic3A = arith.constant 4 : i32
    %shift_right_arithmetic3A_3 = vector.broadcast %shift_right_arithmetic3A : i32 to vector<1x4096xi32>
    %shift_right_arithmetic3A_4 = arith.shrsi %iota3A, %shift_right_arithmetic3A_3 : vector<1x4096xi32>
    %convert_element_type3A = arith.sitofp %shift_right_arithmetic3A_4 : vector<1x4096xi32> to vector<1x4096xf32>
    %iota3A_5 = tpu.iota {dimensions = array<i32: 0>} : vector<4096x1xi32>
    %shift_right_arithmetic3A_6 = arith.constant 4 : i32
    %shift_right_arithmetic3A_7 = vector.broadcast %shift_right_arithmetic3A_6 : i32 to vector<4096x1xi32>
    %shift_right_arithmetic3A_8 = arith.shrsi %iota3A_5, %shift_right_arithmetic3A_7 : vector<4096x1xi32>
    %iota3A_9 = tpu.iota {dimensions = array<i32: 1>} : vector<1x256xi32>
    %le3A = vector.broadcast %shift_right_arithmetic3A_8 : vector<4096x1xi32> to vector<4096x256xi32>
    %le3A_10 = vector.broadcast %iota3A_9 : vector<1x256xi32> to vector<4096x256xi32>
    %le3A_11 = arith.cmpi sle, %le3A, %le3A_10 : vector<4096x256xi32>
    %convert_element_type3A_12 = arith.extui %le3A_11 : vector<4096x256xi1> to vector<4096x256xi32>
    %convert_element_type3A_13 = arith.sitofp %convert_element_type3A_12 : vector<4096x256xi32> to vector<4096x256xf32>
    %dot_general3A = arith.constant dense<0.000000e+00> : vector<1x256xf32>
    %dot_general3A_14 = tpu.matmul %broadcast_in_dim3A, %convert_element_type3A_13, %dot_general3A {dimension_numbers = #tpu.dot_dimension_numbers<[1], [0], [0], [1], [0, 0, 1, 1], [], []>, precision = #tpu.contract_precision<fp32>, transpose_lhs_hint = false} : vector<1x4096xf32>, vector<4096x256xf32>, vector<1x256xf32> -> vector<1x256xf32>
    %mul3A = arith.mulf %broadcast_in_dim3A, %convert_element_type3A : vector<1x4096xf32>
    %dot_general3A_15 = arith.constant dense<0.000000e+00> : vector<1x256xf32>
    %dot_general3A_16 = tpu.matmul %mul3A, %convert_element_type3A_13, %dot_general3A_15 {dimension_numbers = #tpu.dot_dimension_numbers<[1], [0], [0], [1], [0, 0, 1, 1], [], []>, precision = #tpu.contract_precision<fp32>, transpose_lhs_hint = false} : vector<1x4096xf32>, vector<4096x256xf32>, vector<1x256xf32> -> vector<1x256xf32>
    %reduce_max3A = vector.shape_cast %dot_general3A_14 : vector<1x256xf32> to vector<1x1x256xf32>
    %reduce_max3A_17 = arith.constant dense<0xFF800000> : vector<1xf32>
    %reduce_max3A_18 = vector.multi_reduction <maximumf>, %reduce_max3A, %reduce_max3A_17 [1, 2] : vector<1x1x256xf32> to vector<1xf32>
    %reduce_max3A_19 = vector.shape_cast %reduce_max3A_18 : vector<1xf32> to vector<1x1x1xf32>
    %reduce_max3A_20 = vector.extract %reduce_max3A_19[0, 0, 0] : f32 from vector<1x1x1xf32>
    %reduce_max3A_21 = vector.shape_cast %dot_general3A_16 : vector<1x256xf32> to vector<1x1x256xf32>
    %reduce_max3A_22 = arith.constant dense<0xFF800000> : vector<1xf32>
    %reduce_max3A_23 = vector.multi_reduction <maximumf>, %reduce_max3A_21, %reduce_max3A_22 [1, 2] : vector<1x1x256xf32> to vector<1xf32>
    %reduce_max3A_24 = vector.shape_cast %reduce_max3A_23 : vector<1xf32> to vector<1x1x1xf32>
    %reduce_max3A_25 = vector.extract %reduce_max3A_24[0, 0, 0] : f32 from vector<1x1x1xf32>
    %sub3A = vector.broadcast %reduce_max3A_20 : f32 to vector<1x256xf32>
    %sub3A_26 = arith.subf %sub3A, %dot_general3A_14 : vector<1x256xf32>
    %gt3A = arith.constant 0.000000e+00 : f32
    %gt3A_27 = vector.broadcast %gt3A : f32 to vector<1x256xf32>
    %gt3A_28 = arith.cmpf ogt, %dot_general3A_14, %gt3A_27 : vector<1x256xf32>
    %gt3A_29 = arith.constant 0.000000e+00 : f32
    %gt3A_30 = vector.broadcast %gt3A_29 : f32 to vector<1x256xf32>
    %gt3A_31 = arith.cmpf ogt, %sub3A_26, %gt3A_30 : vector<1x256xf32>
    %and3A = arith.andi %gt3A_28, %gt3A_31 : vector<1x256xi1>
    %mul3A_32 = arith.mulf %dot_general3A_14, %sub3A_26 : vector<1x256xf32>
    %div3A = arith.divf %dot_general3A_16, %dot_general3A_14 : vector<1x256xf32>
    %sub3A_33 = vector.broadcast %reduce_max3A_25 : f32 to vector<1x256xf32>
    %sub3A_34 = arith.subf %sub3A_33, %dot_general3A_16 : vector<1x256xf32>
    %div3A_35 = arith.divf %sub3A_34, %sub3A_26 : vector<1x256xf32>
    %sub3A_36 = arith.subf %div3A, %div3A_35 : vector<1x256xf32>
    %integer_pow3A = arith.mulf %sub3A_36, %sub3A_36 : vector<1x256xf32>
    %mul3A_37 = arith.mulf %mul3A_32, %integer_pow3A : vector<1x256xf32>
    %jit3A = arith.constant 0xFF800000 : f32
    %broadcast_in_dim3A_38 = vector.broadcast %jit3A : f32 to vector<1x256xf32>
    %select_n3A = arith.select %and3A, %mul3A_37, %broadcast_in_dim3A_38 : vector<1x256xi1>, vector<1x256xf32>
    %reduce_max3A_39 = vector.shape_cast %select_n3A : vector<1x256xf32> to vector<1x1x256xf32>
    %reduce_max3A_40 = arith.constant dense<0xFF800000> : vector<1xf32>
    %reduce_max3A_41 = vector.multi_reduction <maximumf>, %reduce_max3A_39, %reduce_max3A_40 [1, 2] : vector<1x1x256xf32> to vector<1xf32>
    %reduce_max3A_42 = vector.shape_cast %reduce_max3A_41 : vector<1xf32> to vector<1x1x1xf32>
    %reduce_max3A_43 = vector.extract %reduce_max3A_42[0, 0, 0] : f32 from vector<1x1x1xf32>
    %iota3A_44 = tpu.iota {dimensions = array<i32: 1>} : vector<1x256xi32>
    %convert_element_type3A_45 = arith.sitofp %iota3A_44 : vector<1x256xi32> to vector<1x256xf32>
    %eq3A = vector.broadcast %reduce_max3A_43 : f32 to vector<1x256xf32>
    %eq3A_46 = arith.cmpf oeq, %select_n3A, %eq3A : vector<1x256xf32>
    %jit3A_47 = arith.constant 2.560000e+02 : f32
    %broadcast_in_dim3A_48 = vector.broadcast %jit3A_47 : f32 to vector<1x256xf32>
    %select_n3A_49 = arith.select %eq3A_46, %convert_element_type3A_45, %broadcast_in_dim3A_48 : vector<1x256xi1>, vector<1x256xf32>
    %reduce_min3A = vector.shape_cast %select_n3A_49 : vector<1x256xf32> to vector<1x1x256xf32>
    %reduce_min3A_50 = arith.constant dense<0x7F800000> : vector<1xf32>
    %reduce_min3A_51 = vector.multi_reduction <minimumf>, %reduce_min3A, %reduce_min3A_50 [1, 2] : vector<1x1x256xf32> to vector<1xf32>
    %reduce_min3A_52 = vector.shape_cast %reduce_min3A_51 : vector<1xf32> to vector<1x1x1xf32>
    %reduce_min3A_53 = vector.extract %reduce_min3A_52[0, 0, 0] : f32 from vector<1x1x1xf32>
    %reshape3A = vector.broadcast %reduce_min3A_53 : f32 to vector<1x1xf32>
    %swap3A = arith.constant 0 : index
    %swap3A_54 = arith.constant 0 : index
    %swap3A_55 = vector.load %arg1[%swap3A, %swap3A_54] : memref<1x1xf32, #tpu.memory_space<vmem>>, vector<1x1xf32>
    tpu.vector_store %arg1[%swap3A, %swap3A_54], %reshape3A {strides = array<i32>} : memref<1x1xf32, #tpu.memory_space<vmem>>, vector<1x1xf32>,
    return
  }
}

</mosaic_0001>

<sc_bundles>
// kernel: kernel.4.cloned.1.call-start
scs
__scs_entry_jumppad:
0x0: {  	(pc) =	sbr.rel $0x88, $3  }
0x1: {  	(tag) =	ssettag $0x0;
	lr =	simm.s32 $0x1  }
0x2: {  	[smem:$0x3FA0] =	sst lr;
	_ =	strace $0xD0000000  }
0x3: {  	_ = 	snop  }
0x4: {  	_ = 	snop  }
0x5: {  	_ = 	snop  }
0x6: {  	_ = 	snop  }
0x7: {  	_ = 	snop  }
__scs_overlays_trampoline_lowered:
0x8: {  	[smem:$0x3FAF] =	sst s0  }
0x9: {  	[smem:$0x3FB0] =	sst s1  }
0xa: {  	[smem:$0x3FB1] =	sst s2  }
0xb: {  	[smem:$0x3FB2] =	sst s3  }
0xc: {  	[smem:$0x3FB3] =	sst s4  }
0xd: {  	[smem:$0x3FB4] =	sst s5  }
0xe: {  	[smem:$0x3FB5] =	sst s6  }
0xf: {  	[smem:$0x3FB6] =	sst s7  }
0x10: {  	[smem:$0x3FB7] =	sst s8  }
0x11: {  	[smem:$0x3FB8] =	sst s9;
	s0 =	simm.s32 @!p0 $0x0  }
0x12: {  	s1 =	sld [smem:$0x3F9E];
	s0 =	simm.s32 @p0 $0x1  }
0x13: {  	[smem:$0x3FB9] =	sst s0;
	s0 =	simm.s32 @!p1 $0x0  }
0x14: {  	s2 =	sld [smem:$0x3F9D];
	s0 =	simm.s32 @p1 $0x1  }
0x15: {  	[smem:$0x3FBA] =	sst s0;
	s0 =	simm.s32 @!p2 $0x0  }
0x16: {  	s3 =	sld [smem:$0x3FDB];
	s0 =	simm.s32 @p2 $0x1  }
0x17: {  	s4 =	simm.s32 $0x1BF5;
	[smem:$0x3FBC] =	sst s0  }
0x18: {  	s0 =	sld [smem:$0x3F9F];
	_ =	swait.ge [sflag:s4], $0x0  }
0x19: {  	s7 =	sld [smem:$0x3FA0]  }
0x1a: {  	s8 =	sadd.s32 $0xFFFFE003, lr  }
0x1b: {  	s9 =	sadd.s32 $0xFFFFFEF7, lr;
	s5 =	simm.s32 $0xFFFFFFFF;
	p2 =	slt.u32 s8, $0xFFFFF086  }
0x1c: {  	p1 =	slt.u32 s9, $0xF7A;
	s5 =	simm.s32 @!p2 $0x0  }
0x1d: {  	s5 =	simm.s32 @p1 $0x1;
	p0 =	seq.s32 s7, s2  }
0x1e: {  	s7 =	smul.u32 @!p0 $0xF7A, s2;
	p2 =	seq.s32 @!p0 s5, $0x0  }
0x1f: {  	s9 =	smul.u32 $0xF7A, s1;
	s8 =	simm.s32 @!p0 $0x1BF5;
	p2 =	por !p2, p0  }
0x20: {  	[sflag:s8] =	ssyncset.s32 @!p0 $0xFFFFF086;
	s6 =	sadd.s32 @!p0 s3, s7;
	s7 =	simm.s32 @!p0 $0x108  }
0x21: {  	s3 =	sadd.s32 s3, s9;
	s6 =	sadd.s32 @!p0 $0x88, s6;
	s7 =	simm.s32 @p2 $0x1082  }
0x22: {  	[simem:s7], [sflag:s8] =	dma.local @!p0 [hbm:s6], $0xF7A  }
0x23: {  	s9 =	sor.u32 $0xD0000000, s2;
	s6 =	simm.s32 $0x108;
	_ =	swait.ge @!p0 [sflag:s8], $0x0  }
0x24: {  	s3 =	sadd.s32 $0x88, s3;
	s6 =	simm.s32 @!p1 $0x1082;
	[sflag:s4] =	ssyncset.s32 $0xFFFFF086  }
0x25: {  	[simem:s6], [sflag:s4] =	dma.local [hbm:s3], $0xF7A  }
0x26: {  	[smem:$0x3FA0] =	sst s1;
	(tag) =	ssettag s2;
	_ =	strace s9  }
0x27: {  	s1 =	sld [smem:$0x3FB0]  }
0x28: {  	s2 =	sld [smem:$0x3FB1]  }
0x29: {  	s4 =	sld [smem:$0x3FB3]  }
0x2a: {  	p0 =	seq.s32 s5, $0x0;
	s5 =	sld [smem:$0x3FB4]  }
0x2b: {  	s6 =	sld [smem:$0x3FB5]  }
0x2c: {  	s7 =	sld [smem:$0x3FB6]  }
0x2d: {  	s3 =	simm.s32 $0x108;
	s8 =	sld [smem:$0x3FB7]  }
0x2e: {  	s3 =	simm.s32 @!p0 $0x1082;
	s9 =	sld [smem:$0x3FB8]  }
0x2f: {  	lr =	sadd.s32 s0, s3;
	s0 =	sld [smem:$0x3FAF]  }
0x30: {  	s3 =	sld [smem:$0x3FB2]  }
0x31: {  	[smem:$0x3FBB] =	sst s10  }
0x32: {  	s10 =	sld [smem:$0x3FB9];
	_ =	sdelay $0x3  }
0x33: {  	p0 =	seq.s32 s10, $0x1;
	s10 =	sld [smem:$0x3FBB];
	_ =	sdelay $0x3  }
0x34: {  	[smem:$0x3FBB] =	sst s10  }
0x35: {  	s10 =	sld [smem:$0x3FBA];
	_ =	sdelay $0x3  }
0x36: {  	p1 =	seq.s32 s10, $0x1;
	s10 =	sld [smem:$0x3FBB];
	_ =	sdelay $0x3  }
0x37: {  	[smem:$0x3FBB] =	sst s10  }
0x38: {  	s10 =	sld [smem:$0x3FBC]  }
0x39: {  	_ = 	snop;
	(pc) =	sbr.ind lr, $3  }
0x3a: {  	_ = 	snop  }
0x3b: {  	_ = 	snop  }
0x3c: {  	p2 =	seq.s32 s10, $0x1;
	s10 =	sld [smem:$0x3FBB]  }
0x3d: {  	_ =	shalt  }
0x3e: {  	_ =	shalt  }
0x3f: {  	_ =	shalt  }
0x40: {  	_ =	shalt  }
0x41: {  	_ =	shalt  }
0x42: {  	_ =	shalt  }
0x43: {  	_ =	shalt  }
0x44: {  	_ =	shalt  }
0x45: {  	_ =	shalt  }
0x46: {  	_ =	shalt  }
0x47: {  	_ =	shalt  }
0x48: {  	_ =	shalt  }
0x49: {  	_ =	shalt  }
0x4a: {  	_ =	shalt  }
0x4b: {  	_ =	shalt  }
0x4c: {  	_ =	shalt  }
0x4d: {  	_ =	shalt  }
0x4e: {  	_ =	shalt  }
0x4f: {  	_ =	shalt  }
0x50: {  	_ =	shalt  }
0x51: {  	_ =	shalt  }
0x52: {  	_ =	shalt  }
0x53: {  	_ =	shalt  }
0x54: {  	_ =	shalt  }
0x55: {  	_ =	shalt  }
0x56: {  	_ =	shalt  }
0x57: {  	_ =	shalt  }
0x58: {  	_ =	shalt  }
0x59: {  	_ =	shalt  }
0x5a: {  	_ =	shalt  }
0x5b: {  	_ =	shalt  }
0x5c: {  	_ =	shalt  }
0x5d: {  	_ =	shalt  }
0x5e: {  	_ =	shalt  }
0x5f: {  	_ =	shalt  }
0x60: {  	_ =	shalt  }
0x61: {  	_ =	shalt  }
0x62: {  	_ =	shalt  }
0x63: {  	_ =	shalt  }
0x64: {  	_ =	shalt  }
0x65: {  	_ =	shalt  }
0x66: {  	_ =	shalt  }
0x67: {  	_ =	shalt  }
0x68: {  	_ =	shalt  }
0x69: {  	_ =	shalt  }
0x6a: {  	_ =	shalt  }
0x6b: {  	_ =	shalt  }
0x6c: {  	_ =	shalt  }
0x6d: {  	_ =	shalt  }
0x6e: {  	_ =	shalt  }
0x6f: {  	_ =	shalt  }
0x70: {  	_ =	shalt  }
0x71: {  	_ =	shalt  }
0x72: {  	_ =	shalt  }
0x73: {  	_ =	shalt  }
0x74: {  	_ =	shalt  }
0x75: {  	_ =	shalt  }
0x76: {  	_ =	shalt  }
0x77: {  	_ =	shalt  }
0x78: {  	_ =	shalt  }
0x79: {  	_ =	shalt  }
0x7a: {  	_ =	shalt  }
0x7b: {  	_ =	shalt  }
0x7c: {  	_ =	shalt  }
0x7d: {  	_ =	shalt  }
0x7e: {  	_ =	shalt  }
0x7f: {  	_ =	shalt  }
0x80: {  	_ =	shalt  }
0x81: {  	_ =	shalt  }
0x82: {  	_ =	shalt  }
0x83: {  	_ =	shalt  }
0x84: {  	_ =	shalt  }
0x85: {  	_ =	shalt  }
0x86: {  	_ =	shalt  }
0x87: {  	_ =	shalt  }
.Lfunc_end0:
.L_simem_size_0:
called_computation_lowered:
.L_overlay_start_0:
0x88: {  	s2 =	sld [smem:$0x3FD9]  }
0x89: {  	s3 =	sld [smem:$0x3FFE];
	_ =	sdelay $0x1  }
0x8a: {  	s1 =	srdreg.scid  }
0x8b: {  	s0 =	sand.u32 $0x1, s1  }
0x8c: {  	s17 =	sshll.u32 s0, $0xA;
	s2 =	sadd.s32 s3, s2  }
0x8d: {  	s2 =	sadd.s32 s2, s17  }
0x8e: {  	[smem:$0x3FC7] =	sst s2  }
0x8f: {  	_ = 	snop  }
0x90: {  	s2 =	sld [smem:$0x3FC9];
	(tm) =	ssettm $0x1  }
0x91: {  	s18 =	sld [smem:$0x3FFB];
	_ =	sdelay $0x3  }
0x92: {  	_ =	strace s18  }
0x93: {  	s3 =	sld [smem:$0x3FFC];
	_ =	sdelay $0x3  }
0x94: {  	_ =	strace s3  }
0x95: {  	s3 =	sld [smem:$0x3FFD];
	_ =	sdelay $0x3  }
0x96: {  	_ =	strace s3  }
0x97: {  	_ =	strace $0x8FFFFFFF  }
0x98: {  	s19 =	sld [smem:$0x3FDB];
	_ =	sdelay $0x1  }
0x99: {  	s4 =	simm.s32 $_scs_section_size  }
0x9a: {  	s5 =	simm.s32 $_size__tile_overlayer_lowered;
	s6 =	simm.s32 $_tile_overlayer_lowered  }
0x9b: {  	s22 =	simm.s32 $0x1BFF;
	s21 =	sshll.u32 s6, $0x1;
	s3 =	sadd.s32 s4, s19  }
0x9c: {  	s7 =	simm.s32 $0x0;
	s20 =	sshll.u32 s5, $0x1;
	s5 =	sadd.s32 s21, s3  }
0x9d: {  	[timem:s7], [sflag:s22] =	dma.local [hbm:s5], s20  }
0x9e: {  	_ =	swait.ge [sflag:s22], s20  }
0x9f: {  	s4 =	ssub.s32 $0x0, s20;
	[sflag:s22] =	ssyncset.done $0x0  }
0xa0: {  	[sflag:s22] =	ssyncadd.s32 s4;
	_ =	sdelay $0x1  }
0xa1: {  	s23 =	simm.s32 $0x1B8B  }
0xa2: {  	_ =	swait.ge [sflag:s23], $0x1  }
0xa3: {  	[sflag:s23] =	ssyncset.done $0x0  }
0xa4: {  	s25 =	simm.s32 $0x1B8E;
	s24 =	sld [smem:$0x3FFE];
	[sflag:s23] =	ssyncadd.s32 $0xFFFFFFFF  }
0xa5: {  	s26 =	simm.s32 $execute0_lowered;
	[smem:$0x3FD2] =	sst s25  }
0xa6: {  	s5 =	sshll.u32 s26, $0x1;
	_ =	strace $0x80000046;
	[dreg:$0x1] =	wrdreg $0xFFFFFFFF  }
0xa7: {  	s28 =	simm.s32 $_size_execute0_lowered;
	s3 =	sadd.s32 s3, s5;
	[dreg:$0x0] =	wrdreg $0x0  }
0xa8: {  	s5 =	sshll.u32 s28, $0x1;
	[dreg:$0x2] =	wrdreg s3  }
0xa9: {  	[dreg:$0x3] =	wrdreg s5  }
0xaa: {  	[dreg:$0x4] =	wrdreg $0xC0  }
0xab: {  	_ =	task [dreg:s7], $0x5FFFF  }
0xac: {  	[dreg:$0x1] =	wrdreg $0xFFFFFFFF  }
0xad: {  	[dreg:$0x0] =	wrdreg $0x60  }
0xae: {  	[dreg:$0x2] =	wrdreg s2  }
0xaf: {  	[dreg:$0x3] =	wrdreg s24  }
0xb0: {  	[dreg:$0x4] =	wrdreg $0x9  }
0xb1: {  	_ =	task.clear_ibuf [dreg:s7], $0x5FFFF;
	_ =	strace $0x90000046  }
0xb2: {  	s29 =	simm.s32 $0x9;
	_ =	strace $0x80000048  }
0xb3: {  	_ =	swait.ge [sflag:s29], $0x1  }
0xb4: {  	[sflag:s29] =	ssyncadd.s32 $0xFFFFFFFF  }
0xb5: {  	_ =	strace $0x90000048  }
0xb6: {  	_ =	sfence  }
0xb7: {  	s30 =	sld [smem:$0x0];
	_ =	sdelay $0x2  }
0xb8: {  	s31 =	sshll.u32 s1, $0xD;
	s1 =	sshrl.u32 s1, $0x2  }
0xb9: {  	s3 =	sand.u32 $0x4000, s31;
	s1 =	sadd.s32 s1, s30  }
0xba: {  	s0 =	sor.u32 s3, s0;
	s1 =	sshll.u32 s1, $0x11  }
0xbb: {  	s0 =	sor.u32 s1, s0  }
0xbc: {  	s0 =	sadd.s32 $0x8F2B, s0  }
0xbd: {  	[sflag:s0] =	ssyncadd.remote.s32 $0x1  }
0xbe: {  	_ =	sfence.sel $0xFFFF  }
0xbf: {  	[dreg:$0x0] =	wrdreg $0xFFFFFFFF;
	(pc) =	sbr.abs _section_cstart, $3  }
0xc0: {  	[dreg:$0x1] =	wrdreg $0xFFFFFFFF  }
0xc1: {  	_ =	task.clear_ibuf [dreg:s7], $0x2FFFF;
	_ =	strace $0x9FFFFFFF  }
0xc2: {  	(tm) =	ssettm $0x7FFFFFFF  }
0xc3: {  	_ =	shalt  }
tec
execute0_lowered:
.L_overlay_start_1:
0x0: {  	(tag) =	ssettag $0x1  }
0x1: {  	v0 =	vimm.f32 $8.388623000e+06;
	vm0 =	vcmask $0x300  }
0x2: {  	vm14 =	vcmask $0x704;
	v0 =	vsel vm0, $0x4B000000, v0  }
0x3: {  	vm15 =	vcmask $0xB08;
	v0 =	vsel vm14, $0x4B000001, v0  }
0x4: {  	s1 =	rddreg [dreg:$0x0];
	vm4 =	vcmask $0xF0C;
	v0 =	vsel vm15, $0x4B000002, v0  }
0x5: {  	s4 =	rddreg [dreg:$0x1];
	vm5 =	vcmask $0x1310;
	v0 =	vsel vm4, $0x4B000003, v0  }
0x6: {  	s0 =	rddreg [dreg:$0x2];
	vm6 =	vcmask $0x1714;
	v0 =	vsel vm5, $0x4B000004, v0  }
0x7: {  	s2 =	simm.s32 $0x0;
	s5 =	srdreg.scid;
	vm7 =	vcmask $0x1B18;
	s3 =	stileid.u32;
	v0 =	vsel vm6, $0x4B000005, v0  }
0x8: {  	vm8 =	vcmask $0x1F1C;
	s10 =	simm.s32 $0x8000;
	s11 =	simm.s32 $0x10000;
	s12 =	simm.s32 $0x2;
	v0 =	vsel vm7, $0x4B000006, v0  }
0x9: {  	vm9 =	vcmask $0x2320;
	s13 =	simm.s32 $0x80;
	s14 =	simm.s32 $0x400;
	s15 =	simm.s32 $0x3;
	v0 =	vsel vm8, $0x4B000007, v0  }
0xa: {  	vm10 =	vcmask $0x2724;
	[smem:$0x7FF] =	sst s2;
	s5 =	sand.u32 $0x1, s5;
	s6 =	sshll.u32 s3, $0xA;
	v0 =	vsel vm9, $0x4B000008, v0  }
0xb: {  	vm11 =	vcmask $0x2B28;
	s8 =	sshll.u32 s3, $0x1;
	_ =	strace $0x80000047;
	s7 =	ssub.s32 $0x2, s5;
	v0 =	vsel vm10, $0x4B000009, v0  }
0xc: {  	vm12 =	vcmask $0x2F2C;
	s6 =	sand.u32 $0x3000, s6;
	s5 =	sor.u32 s5, s8;
	s9 =	sshrl.u32 s7, $0x1;
	v0 =	vsel vm11, $0x4B00000A, v0  }
0xd: {  	vm13 =	vcmask $0x3330;
	s29 =	sadd.s32 s6, s4;
	s30 =	sshll.u32 s5, $0x4;
	s4 =	sshll.u32 s5, $0x13;
	v0 =	vsel vm12, $0x4B00000B, v0  }
0xe: {  	vm14 =	vcmask $0x3734;
	s5 =	sshll.u32 s5, $0x10;
	s9 =	ssub.s32 s7, s9;
	s31 =	sand.u32 $0x70, s30;
	v0 =	vsel vm13, $0x4B00000C, v0  }
0xf: {  	vm15 =	vcmask $0x3B38;
	s5 =	sadd.s32 s1, s5;
	s6 =	sor.u32 $0x10000, s4;
	s7 =	sadd.s32 s31, s29;
	v1 =	vsel vm14, $0x4B00000D, v0  }
0x10: {  	v2 =	vimm.f32 $1.000000000e+00;
	s8 =	smax.u32 s9, $0x1;
	s9 =	simm.s32 $0x1;
	s7 =	sadd.s32 $0x600, s7;
	v0 =	vimm.f32 $0.0e+00;
	v1 =	vsel vm15, $0x4B00000E, v1  }
.LBB2_1:
0x11: {  	s16 =	simm.s32 $0x0;
	s17 =	simm.s32 $0x400  }
.LBB2_2:
0x12: {  	p0 =	sne.s32 s17, $0x3C00;
	[tilespmem:s16+$0x100F0] =	vst v0  }
0x13: {  	[tilespmem:s16+$0x10000] =	vst v0  }
0x14: {  	[tilespmem:s16+$0x10010] =	vst v0  }
0x15: {  	[tilespmem:s16+$0x10020] =	vst v0  }
0x16: {  	[tilespmem:s16+$0x10030] =	vst v0  }
0x17: {  	[tilespmem:s16+$0x10040] =	vst v0  }
0x18: {  	[tilespmem:s16+$0x10050] =	vst v0  }
0x19: {  	[tilespmem:s16+$0x10060] =	vst v0  }
0x1a: {  	[tilespmem:s16+$0x10070] =	vst v0  }
0x1b: {  	[tilespmem:s16+$0x10080] =	vst v0  }
0x1c: {  	[tilespmem:s16+$0x10090] =	vst v0  }
.Ltmp0:
0x1d: {  	[tilespmem:s16+$0x100A0] =	vst v0;
	(pc) =	sbr.rel @p0 .LBB2_2-.Ltmp0, $4  }
0x1e: {  	[tilespmem:s16+$0x100B0] =	vst v0  }
0x1f: {  	[tilespmem:s16+$0x100C0] =	vst v0  }
0x20: {  	[tilespmem:s16+$0x100D0] =	vst v0  }
0x21: {  	[tilespmem:s16+$0x100E0] =	vst v0;
	s16 =	sshra.s32 s17, $0x2;
	s17 =	sadd.s32 $0x400, s17  }
0x22: {  	[tilespmem:s16+$0x100F0] =	vst v0  }
0x23: {  	[tilespmem:s16+$0x10000] =	vst v0  }
0x24: {  	[tilespmem:s16+$0x10010] =	vst v0  }
0x25: {  	[tilespmem:s16+$0x10020] =	vst v0  }
0x26: {  	[tilespmem:s16+$0x10030] =	vst v0  }
0x27: {  	[tilespmem:s16+$0x10040] =	vst v0  }
0x28: {  	[tilespmem:s16+$0x10050] =	vst v0  }
0x29: {  	[tilespmem:s16+$0x10060] =	vst v0  }
0x2a: {  	[tilespmem:s16+$0x10070] =	vst v0  }
0x2b: {  	[tilespmem:s16+$0x10080] =	vst v0  }
0x2c: {  	[tilespmem:s16+$0x10090] =	vst v0  }
0x2d: {  	[tilespmem:s16+$0x100A0] =	vst v0  }
0x2e: {  	[tilespmem:s16+$0x100B0] =	vst v0  }
0x2f: {  	[tilespmem:s16+$0x100C0] =	vst v0  }
0x30: {  	[tilespmem:s16+$0x100D0] =	vst v0  }
0x31: {  	[tilespmem:s16+$0x100E0] =	vst v0;
	s16 =	simm.s32 $0x0;
	s17 =	simm.s32 $0x0  }
0x32: {  	[tilespmem:s16], [sflag:$0x1] =	stream.linear.gather [hbm4b:s5+s16], $0x8000, $0x38;
	[tilespmem:$0x11000] =	vst v63  }
.LBB2_4:
0x33: {  	s18 =	sshll.u32 s17, $0x10  }
0x34: {  	s19 =	sor.u32 s18, s4  }
0x35: {  	_ =	swait.ge [sflag:s9], $0x8000;
	s19 =	sshrl.u32 s19, $0x3  }
0x36: {  	[sflag:s9] =	ssyncset.done $0x0;
	s19 =	sadd.s32 s19, s1  }
0x37: {  	s31 =	simm.s32 $0x0;
	[sflag:s9] =	ssyncadd.s32 $0xFFFF8000;
	s19 =	sadd.s32 $0x1000, s19  }
0x38: {  	[tilespmem:s10], [sflag:$0x2] =	stream.linear.gather [hbm4b:s19+s16], $0x8000, $0x38;
	[tilespmem:$0x11000] =	vst v63  }
0x39: {  	v3 =	vld [tilespmem:s31+$0x20]  }
0x3a: {  	v4 =	vld [tilespmem:s31+$0x10]  }
0x3b: {  	v5 =	vld [tilespmem:s31+$0x0]  }
0x3c: {  	v6 =	vld [tilespmem:s31+$0x30]  }
0x3d: {  	v7 =	vld [tilespmem:s31+$0x40]  }
0x3e: {  	v8 =	vld [tilespmem:s31+$0x50]  }
0x3f: {  	v9 =	vld [tilespmem:s31+$0x60]  }
0x40: {  	v10 =	vld [tilespmem:s31+$0x70];
	v5 =	vmul.f32 $1.600000000e+01, v5  }
0x41: {  	v11 =	vld [tilespmem:s31+$0x80];
	v4 =	vmul.f32 $1.600000000e+01, v4  }
0x42: {  	v12 =	vld [tilespmem:s31+$0x90];
	v3 =	vmul.f32 $1.600000000e+01, v3;
	v5 =	vadd.f32 v1, v5  }
0x43: {  	v13 =	vld [tilespmem:s31+$0xA0];
	v6 =	vmul.f32 $1.600000000e+01, v6;
	v4 =	vadd.f32 v1, v4  }
0x44: {  	v14 =	vld [tilespmem:s31+$0xB0];
	v7 =	vmul.f32 $1.600000000e+01, v7;
	v3 =	vadd.f32 v1, v3;
	v5 =	vand.u32 $0xFFF, v5  }
0x45: {  	v15 =	vld [tilespmem:s31+$0xC0];
	v8 =	vmul.f32 $1.600000000e+01, v8;
	v6 =	vadd.f32 v1, v6;
	v4 =	vand.u32 $0xFFF, v4  }
0x46: {  	v16 =	vld [tilespmem:s31+$0xD0];
	v9 =	vmul.f32 $1.600000000e+01, v9;
	v7 =	vadd.f32 v1, v7;
	v3 =	vand.u32 $0xFFF, v3  }
0x47: {  	v17 =	vld [tilespmem:s31+$0xE0];
	v10 =	vmul.f32 $1.600000000e+01, v10;
	v8 =	vadd.f32 v1, v8;
	v6 =	vand.u32 $0xFFF, v6  }
0x48: {  	v18 =	vld [tilespmem:s31+$0xF0];
	v11 =	vmul.f32 $1.600000000e+01, v11;
	v9 =	vadd.f32 v1, v9;
	v7 =	vand.u32 $0xFFF, v7  }
0x49: {  	v12 =	vmul.f32 $1.600000000e+01, v12;
	v10 =	vadd.f32 v1, v10;
	[tilespmem:v5+s11+$0x0] =	vst.idx.add.f32.msk $0xffff, v2;
	v5 =	vand.u32 $0xFFF, v8  }
0x4a: {  	v48 =	vmul.f32 $1.600000000e+01, v13;
	v47 =	vadd.f32 v1, v11;
	[tilespmem:v4+s11+$0x0] =	vst.idx.add.f32.msk $0xffff, v2;
	v4 =	vand.u32 $0xFFF, v9  }
0x4b: {  	v50 =	vmul.f32 $1.600000000e+01, v14;
	v49 =	vadd.f32 v1, v12;
	[tilespmem:v3+s11+$0x0] =	vst.idx.add.f32.msk $0xffff, v2;
	v3 =	vand.u32 $0xFFF, v10  }
0x4c: {  	v51 =	vadd.f32 v1, v48;
	v53 =	vand.u32 $0xFFF, v47;
	[tilespmem:v6+s11+$0x0] =	vst.idx.add.f32.msk $0xffff, v2  }
0x4d: {  	v52 =	vmul.f32 $1.600000000e+01, v15;
	v54 =	vadd.f32 v1, v50;
	v56 =	vand.u32 $0xFFF, v49;
	[tilespmem:v7+s11+$0x0] =	vst.idx.add.f32.msk $0xffff, v2  }
0x4e: {  	[tilespmem:v5+s11+$0x0] =	vst.idx.add.f32.msk $0xffff, v2;
	v5 =	vand.u32 $0xFFF, v51  }
0x4f: {  	v57 =	vadd.f32 v1, v52;
	[tilespmem:v4+s11+$0x0] =	vst.idx.add.f32.msk $0xffff, v2;
	v4 =	vand.u32 $0xFFF, v54  }
0x50: {  	v55 =	vmul.f32 $1.600000000e+01, v16;
	[tilespmem:v3+s11+$0x0] =	vst.idx.add.f32.msk $0xffff, v2  }
0x51: {  	v58 =	vmul.f32 $1.600000000e+01, v17;
	v3 =	vand.u32 $0xFFF, v57;
	[tilespmem:v53+s11+$0x0] =	vst.idx.add.f32.msk $0xffff, v2  }
0x52: {  	v63 =	vmul.f32 $1.600000000e+01, v18;
	v59 =	vadd.f32 v1, v55;
	[tilespmem:v56+s11+$0x0] =	vst.idx.add.f32.msk $0xffff, v2  }
0x53: {  	v60 =	vadd.f32 v1, v58;
	[tilespmem:v5+s11+$0x0] =	vst.idx.add.f32.msk $0xffff, v2  }
0x54: {  	v61 =	vand.u32 $0xFFF, v59;
	[tilespmem:v4+s11+$0x0] =	vst.idx.add.f32.msk $0xffff, v2;
	v4 =	vadd.f32 v1, v63  }
0x55: {  	v62 =	vand.u32 $0xFFF, v60  }
0x56: {  	[tilespmem:v3+s11+$0x0] =	vst.idx.add.f32.msk $0xffff, v2;
	v3 =	vand.u32 $0xFFF, v4;
	_ =	sdelay $0x2  }
0x57: {  	[tilespmem:v61+s11+$0x0] =	vst.idx.add.f32.msk $0xffff, v2  }
0x58: {  	s19 =	simm.s32 $0x400;
	[tilespmem:v62+s11+$0x0] =	vst.idx.add.f32.msk $0xffff, v2  }
.LBB2_5:
0x59: {  	s20 =	sshra.s32 s19, $0x2;
	p0 =	sne.s32 s19, $0x1FC00;
	s19 =	sadd.s32 $0x400, s19;
	[tilespmem:v3+s11+$0x0] =	vst.idx.add.f32.msk $0xffff, v2  }
0x5a: {  	v3 =	vld [tilespmem:s20+$0x20]  }
0x5b: {  	v4 =	vld [tilespmem:s20+$0x10]  }
0x5c: {  	v5 =	vld [tilespmem:s20+$0x0]  }
0x5d: {  	v6 =	vld [tilespmem:s20+$0x30]  }
0x5e: {  	v7 =	vld [tilespmem:s20+$0x40]  }
0x5f: {  	v8 =	vld [tilespmem:s20+$0x50];
	v3 =	vmul.f32 $1.600000000e+01, v3  }
0x60: {  	v9 =	vld [tilespmem:s20+$0x60];
	v4 =	vmul.f32 $1.600000000e+01, v4  }
0x61: {  	v10 =	vld [tilespmem:s20+$0x70];
	v5 =	vmul.f32 $1.600000000e+01, v5;
	v3 =	vadd.f32 v1, v3  }
0x62: {  	v11 =	vld [tilespmem:s20+$0x80];
	v4 =	vadd.f32 v1, v4;
	v6 =	vmul.f32 $1.600000000e+01, v6  }
0x63: {  	v12 =	vld [tilespmem:s20+$0x90];
	v5 =	vadd.f32 v1, v5;
	v7 =	vmul.f32 $1.600000000e+01, v7  }
0x64: {  	v13 =	vld [tilespmem:s20+$0xA0];
	v6 =	vadd.f32 v1, v6;
	v8 =	vmul.f32 $1.600000000e+01, v8  }
0x65: {  	v14 =	vld [tilespmem:s20+$0xB0];
	v7 =	vadd.f32 v1, v7;
	v9 =	vmul.f32 $1.600000000e+01, v9;
	v5 =	vand.u32 $0xFFF, v5  }
0x66: {  	v4 =	vand.u32 $0xFFF, v4;
	v15 =	vld [tilespmem:s20+$0xC0];
	v8 =	vadd.f32 v1, v8;
	v10 =	vmul.f32 $1.600000000e+01, v10  }
0x67: {  	v3 =	vand.u32 $0xFFF, v3;
	v16 =	vld [tilespmem:s20+$0xD0];
	v9 =	vadd.f32 v1, v9;
	v11 =	vmul.f32 $1.600000000e+01, v11  }
0x68: {  	v6 =	vand.u32 $0xFFF, v6;
	v17 =	vld [tilespmem:s20+$0xE0];
	v10 =	vadd.f32 v1, v10;
	v12 =	vmul.f32 $1.600000000e+01, v12  }
0x69: {  	v7 =	vand.u32 $0xFFF, v7;
	v18 =	vld [tilespmem:s20+$0xF0];
	v11 =	vadd.f32 v1, v11;
	v13 =	vmul.f32 $1.600000000e+01, v13  }
0x6a: {  	v12 =	vadd.f32 v1, v12;
	v14 =	vmul.f32 $1.600000000e+01, v14;
	[tilespmem:v5+s11+$0x0] =	vst.idx.add.f32.msk $0xffff, v2;
	v5 =	vand.u32 $0xFFF, v8  }
0x6b: {  	v8 =	vadd.f32 v1, v13;
	v13 =	vmul.f32 $1.600000000e+01, v15;
	[tilespmem:v4+s11+$0x0] =	vst.idx.add.f32.msk $0xffff, v2;
	v4 =	vand.u32 $0xFFF, v9  }
0x6c: {  	v9 =	vadd.f32 v1, v14;
	v14 =	vmul.f32 $1.600000000e+01, v16;
	[tilespmem:v3+s11+$0x0] =	vst.idx.add.f32.msk $0xffff, v2;
	v3 =	vand.u32 $0xFFF, v10  }
0x6d: {  	v10 =	vadd.f32 v1, v13;
	v13 =	vmul.f32 $1.600000000e+01, v17;
	[tilespmem:v6+s11+$0x0] =	vst.idx.add.f32.msk $0xffff, v2;
	v6 =	vand.u32 $0xFFF, v11  }
0x6e: {  	v11 =	vadd.f32 v1, v14;
	v14 =	vmul.f32 $1.600000000e+01, v18;
	[tilespmem:v7+s11+$0x0] =	vst.idx.add.f32.msk $0xffff, v2;
	v7 =	vand.u32 $0xFFF, v12  }
0x6f: {  	v12 =	vadd.f32 v1, v13;
	[tilespmem:v5+s11+$0x0] =	vst.idx.add.f32.msk $0xffff, v2;
	v5 =	vand.u32 $0xFFF, v8  }
0x70: {  	v8 =	vadd.f32 v1, v14;
	[tilespmem:v4+s11+$0x0] =	vst.idx.add.f32.msk $0xffff, v2;
	v4 =	vand.u32 $0xFFF, v9  }
0x71: {  	v9 =	vand.u32 $0xFFF, v10;
	[tilespmem:v3+s11+$0x0] =	vst.idx.add.f32.msk $0xffff, v2  }
0x72: {  	[tilespmem:v6+s11+$0x0] =	vst.idx.add.f32.msk $0xffff, v2;
	v6 =	vand.u32 $0xFFF, v11  }
0x73: {  	[tilespmem:v7+s11+$0x0] =	vst.idx.add.f32.msk $0xffff, v2;
	v7 =	vand.u32 $0xFFF, v12  }
.Ltmp1:
0x74: {  	v3 =	vand.u32 $0xFFF, v8;
	[tilespmem:v5+s11+$0x0] =	vst.idx.add.f32.msk $0xffff, v2;
	(pc) =	sbr.rel @p0 .LBB2_5-.Ltmp1, $4  }
0x75: {  	[tilespmem:v4+s11+$0x0] =	vst.idx.add.f32.msk $0xffff, v2  }
0x76: {  	[tilespmem:v9+s11+$0x0] =	vst.idx.add.f32.msk $0xffff, v2  }
0x77: {  	[tilespmem:v6+s11+$0x0] =	vst.idx.add.f32.msk $0xffff, v2  }
0x78: {  	[tilespmem:v7+s11+$0x0] =	vst.idx.add.f32.msk $0xffff, v2  }
0x79: {  	_ =	sdelay $0x3  }
0x7a: {  	[tilespmem:v3+s11+$0x0] =	vst.idx.add.f32.msk $0xffff, v2;
	p0 =	seq.s32 s17, $0x7  }
0x7b: {  	_ =	swait.ge [sflag:s12], $0x8000;
	s18 =	sadd.s32 @!p0 s18, s6  }
0x7c: {  	s31 =	simm.s32 $0x0;
	[sflag:s12] =	ssyncset.done $0x0;
	s18 =	sshrl.u32 @!p0 s18, $0x3  }
0x7d: {  	s19 =	simm.s32 @!p0 $0x0;
	[sflag:s12] =	ssyncadd.s32 $0xFFFF8000;
	s18 =	sadd.s32 @!p0 s1, s18  }
0x7e: {  	[tilespmem:s19], [sflag:$0x1] =	stream.linear.gather @!p0 [hbm4b:s18+s19], $0x8000, $0x38;
	[tilespmem:$0x11000] =	vst v63  }
0x7f: {  	v3 =	vld [tilespmem:s31+$0x8020]  }
0x80: {  	v4 =	vld [tilespmem:s31+$0x8010]  }
0x81: {  	v5 =	vld [tilespmem:s31+$0x8000]  }
0x82: {  	v6 =	vld [tilespmem:s31+$0x8030]  }
0x83: {  	v7 =	vld [tilespmem:s31+$0x8040]  }
0x84: {  	v8 =	vld [tilespmem:s31+$0x8050]  }
0x85: {  	v9 =	vld [tilespmem:s31+$0x8060]  }
0x86: {  	v10 =	vld [tilespmem:s31+$0x8070];
	v5 =	vmul.f32 $1.600000000e+01, v5  }
0x87: {  	v11 =	vld [tilespmem:s31+$0x8080];
	v4 =	vmul.f32 $1.600000000e+01, v4  }
0x88: {  	v12 =	vld [tilespmem:s31+$0x8090];
	v3 =	vmul.f32 $1.600000000e+01, v3;
	v5 =	vadd.f32 v1, v5  }
0x89: {  	v13 =	vld [tilespmem:s31+$0x80A0];
	v6 =	vmul.f32 $1.600000000e+01, v6;
	v4 =	vadd.f32 v1, v4  }
0x8a: {  	v14 =	vld [tilespmem:s31+$0x80B0];
	v7 =	vmul.f32 $1.600000000e+01, v7;
	v3 =	vadd.f32 v1, v3;
	v5 =	vand.u32 $0xFFF, v5  }
0x8b: {  	v15 =	vld [tilespmem:s31+$0x80C0];
	v8 =	vmul.f32 $1.600000000e+01, v8;
	v6 =	vadd.f32 v1, v6;
	v4 =	vand.u32 $0xFFF, v4  }
0x8c: {  	v16 =	vld [tilespmem:s31+$0x80D0];
	v9 =	vmul.f32 $1.600000000e+01, v9;
	v7 =	vadd.f32 v1, v7;
	v3 =	vand.u32 $0xFFF, v3  }
0x8d: {  	v17 =	vld [tilespmem:s31+$0x80E0];
	v10 =	vmul.f32 $1.600000000e+01, v10;
	v8 =	vadd.f32 v1, v8;
	v6 =	vand.u32 $0xFFF, v6  }
0x8e: {  	v18 =	vld [tilespmem:s31+$0x80F0];
	v11 =	vmul.f32 $1.600000000e+01, v11;
	v9 =	vadd.f32 v1, v9;
	v7 =	vand.u32 $0xFFF, v7  }
0x8f: {  	v12 =	vmul.f32 $1.600000000e+01, v12;
	v10 =	vadd.f32 v1, v10;
	[tilespmem:v5+s11+$0x0] =	vst.idx.add.f32.msk $0xffff, v2;
	v5 =	vand.u32 $0xFFF, v8  }
0x90: {  	v48 =	vmul.f32 $1.600000000e+01, v13;
	v47 =	vadd.f32 v1, v11;
	[tilespmem:v4+s11+$0x0] =	vst.idx.add.f32.msk $0xffff, v2;
	v4 =	vand.u32 $0xFFF, v9  }
0x91: {  	v50 =	vmul.f32 $1.600000000e+01, v14;
	v49 =	vadd.f32 v1, v12;
	[tilespmem:v3+s11+$0x0] =	vst.idx.add.f32.msk $0xffff, v2;
	v3 =	vand.u32 $0xFFF, v10  }
0x92: {  	v51 =	vadd.f32 v1, v48;
	v53 =	vand.u32 $0xFFF, v47;
	[tilespmem:v6+s11+$0x0] =	vst.idx.add.f32.msk $0xffff, v2  }
0x93: {  	v52 =	vmul.f32 $1.600000000e+01, v15;
	v54 =	vadd.f32 v1, v50;
	v56 =	vand.u32 $0xFFF, v49;
	[tilespmem:v7+s11+$0x0] =	vst.idx.add.f32.msk $0xffff, v2  }
0x94: {  	[tilespmem:v5+s11+$0x0] =	vst.idx.add.f32.msk $0xffff, v2;
	v5 =	vand.u32 $0xFFF, v51  }
0x95: {  	v57 =	vadd.f32 v1, v52;
	[tilespmem:v4+s11+$0x0] =	vst.idx.add.f32.msk $0xffff, v2;
	v4 =	vand.u32 $0xFFF, v54  }
0x96: {  	v55 =	vmul.f32 $1.600000000e+01, v16;
	[tilespmem:v3+s11+$0x0] =	vst.idx.add.f32.msk $0xffff, v2  }
0x97: {  	v58 =	vmul.f32 $1.600000000e+01, v17;
	v3 =	vand.u32 $0xFFF, v57;
	[tilespmem:v53+s11+$0x0] =	vst.idx.add.f32.msk $0xffff, v2  }
0x98: {  	v63 =	vmul.f32 $1.600000000e+01, v18;
	v59 =	vadd.f32 v1, v55;
	[tilespmem:v56+s11+$0x0] =	vst.idx.add.f32.msk $0xffff, v2  }
0x99: {  	v60 =	vadd.f32 v1, v58;
	[tilespmem:v5+s11+$0x0] =	vst.idx.add.f32.msk $0xffff, v2  }
0x9a: {  	v61 =	vand.u32 $0xFFF, v59;
	[tilespmem:v4+s11+$0x0] =	vst.idx.add.f32.msk $0xffff, v2;
	v4 =	vadd.f32 v1, v63  }
0x9b: {  	v62 =	vand.u32 $0xFFF, v60  }
0x9c: {  	[tilespmem:v3+s11+$0x0] =	vst.idx.add.f32.msk $0xffff, v2;
	v3 =	vand.u32 $0xFFF, v4;
	_ =	sdelay $0x2  }
0x9d: {  	[tilespmem:v61+s11+$0x0] =	vst.idx.add.f32.msk $0xffff, v2  }
0x9e: {  	s18 =	simm.s32 $0x400;
	[tilespmem:v62+s11+$0x0] =	vst.idx.add.f32.msk $0xffff, v2  }
.LBB2_7:
0x9f: {  	s19 =	sshra.s32 s18, $0x2;
	p0 =	sne.s32 s18, $0x1FC00;
	s18 =	sadd.s32 $0x400, s18;
	[tilespmem:v3+s11+$0x0] =	vst.idx.add.f32.msk $0xffff, v2  }
0xa0: {  	v3 =	vld [tilespmem:s19+$0x8020]  }
0xa1: {  	v4 =	vld [tilespmem:s19+$0x8010]  }
0xa2: {  	v5 =	vld [tilespmem:s19+$0x8000]  }
0xa3: {  	v6 =	vld [tilespmem:s19+$0x8030]  }
0xa4: {  	v7 =	vld [tilespmem:s19+$0x8040]  }
0xa5: {  	v8 =	vld [tilespmem:s19+$0x8050];
	v3 =	vmul.f32 $1.600000000e+01, v3  }
0xa6: {  	v9 =	vld [tilespmem:s19+$0x8060];
	v4 =	vmul.f32 $1.600000000e+01, v4  }
0xa7: {  	v10 =	vld [tilespmem:s19+$0x8070];
	v5 =	vmul.f32 $1.600000000e+01, v5;
	v3 =	vadd.f32 v1, v3  }
0xa8: {  	v11 =	vld [tilespmem:s19+$0x8080];
	v4 =	vadd.f32 v1, v4;
	v6 =	vmul.f32 $1.600000000e+01, v6  }
0xa9: {  	v12 =	vld [tilespmem:s19+$0x8090];
	v5 =	vadd.f32 v1, v5;
	v7 =	vmul.f32 $1.600000000e+01, v7  }
0xaa: {  	v13 =	vld [tilespmem:s19+$0x80A0];
	v6 =	vadd.f32 v1, v6;
	v8 =	vmul.f32 $1.600000000e+01, v8  }
0xab: {  	v14 =	vld [tilespmem:s19+$0x80B0];
	v7 =	vadd.f32 v1, v7;
	v9 =	vmul.f32 $1.600000000e+01, v9;
	v5 =	vand.u32 $0xFFF, v5  }
0xac: {  	v4 =	vand.u32 $0xFFF, v4;
	v15 =	vld [tilespmem:s19+$0x80C0];
	v8 =	vadd.f32 v1, v8;
	v10 =	vmul.f32 $1.600000000e+01, v10  }
0xad: {  	v3 =	vand.u32 $0xFFF, v3;
	v16 =	vld [tilespmem:s19+$0x80D0];
	v9 =	vadd.f32 v1, v9;
	v11 =	vmul.f32 $1.600000000e+01, v11  }
0xae: {  	v6 =	vand.u32 $0xFFF, v6;
	v17 =	vld [tilespmem:s19+$0x80E0];
	v10 =	vadd.f32 v1, v10;
	v12 =	vmul.f32 $1.600000000e+01, v12  }
0xaf: {  	v7 =	vand.u32 $0xFFF, v7;
	v18 =	vld [tilespmem:s19+$0x80F0];
	v11 =	vadd.f32 v1, v11;
	v13 =	vmul.f32 $1.600000000e+01, v13  }
0xb0: {  	v12 =	vadd.f32 v1, v12;
	v14 =	vmul.f32 $1.600000000e+01, v14;
	[tilespmem:v5+s11+$0x0] =	vst.idx.add.f32.msk $0xffff, v2;
	v5 =	vand.u32 $0xFFF, v8  }
0xb1: {  	v8 =	vadd.f32 v1, v13;
	v13 =	vmul.f32 $1.600000000e+01, v15;
	[tilespmem:v4+s11+$0x0] =	vst.idx.add.f32.msk $0xffff, v2;
	v4 =	vand.u32 $0xFFF, v9  }
0xb2: {  	v9 =	vadd.f32 v1, v14;
	v14 =	vmul.f32 $1.600000000e+01, v16;
	[tilespmem:v3+s11+$0x0] =	vst.idx.add.f32.msk $0xffff, v2;
	v3 =	vand.u32 $0xFFF, v10  }
0xb3: {  	v10 =	vadd.f32 v1, v13;
	v13 =	vmul.f32 $1.600000000e+01, v17;
	[tilespmem:v6+s11+$0x0] =	vst.idx.add.f32.msk $0xffff, v2;
	v6 =	vand.u32 $0xFFF, v11  }
0xb4: {  	v11 =	vadd.f32 v1, v14;
	v14 =	vmul.f32 $1.600000000e+01, v18;
	[tilespmem:v7+s11+$0x0] =	vst.idx.add.f32.msk $0xffff, v2;
	v7 =	vand.u32 $0xFFF, v12  }
0xb5: {  	v12 =	vadd.f32 v1, v13;
	[tilespmem:v5+s11+$0x0] =	vst.idx.add.f32.msk $0xffff, v2;
	v5 =	vand.u32 $0xFFF, v8  }
0xb6: {  	v8 =	vadd.f32 v1, v14;
	[tilespmem:v4+s11+$0x0] =	vst.idx.add.f32.msk $0xffff, v2;
	v4 =	vand.u32 $0xFFF, v9  }
0xb7: {  	v9 =	vand.u32 $0xFFF, v10;
	[tilespmem:v3+s11+$0x0] =	vst.idx.add.f32.msk $0xffff, v2  }
0xb8: {  	[tilespmem:v6+s11+$0x0] =	vst.idx.add.f32.msk $0xffff, v2;
	v6 =	vand.u32 $0xFFF, v11  }
0xb9: {  	[tilespmem:v7+s11+$0x0] =	vst.idx.add.f32.msk $0xffff, v2;
	v7 =	vand.u32 $0xFFF, v12  }
.Ltmp2:
0xba: {  	v3 =	vand.u32 $0xFFF, v8;
	[tilespmem:v5+s11+$0x0] =	vst.idx.add.f32.msk $0xffff, v2;
	(pc) =	sbr.rel @p0 .LBB2_7-.Ltmp2, $4  }
0xbb: {  	[tilespmem:v4+s11+$0x0] =	vst.idx.add.f32.msk $0xffff, v2  }
0xbc: {  	[tilespmem:v9+s11+$0x0] =	vst.idx.add.f32.msk $0xffff, v2  }
0xbd: {  	[tilespmem:v6+s11+$0x0] =	vst.idx.add.f32.msk $0xffff, v2  }
0xbe: {  	[tilespmem:v7+s11+$0x0] =	vst.idx.add.f32.msk $0xffff, v2  }
0xbf: {  	s17 =	sadd.s32 $0x1, s17  }
0xc0: {  	p0 =	sne.s32 s17, $0x8  }
.Ltmp3:
0xc1: {  	_ = 	snop;
	(pc) =	sbr.rel @p0 .LBB2_4-.Ltmp3, $2  }
0xc2: {  	_ =	sdelay $0x2  }
0xc3: {  	[tilespmem:v3+s11+$0x0] =	vst.idx.add.f32.msk $0xffff, v2  }
0xc4: {  	s2 =	sadd.s32 $0x1, s2  }
0xc5: {  	p0 =	sne.s32 s2, s8  }
.Ltmp4:
0xc6: {  	_ = 	snop;
	(pc) =	sbr.rel @p0 .LBB2_1-.Ltmp4, $4  }
0xc7: {  	[hbm4b:s7+s13] =	stream.strided.scatter [tilespmem:s11], [sflag:$0x3], $0x1000, s14, s13, $0x38;
	[tilespmem:$0x11000] =	vst v63  }
0xc8: {  	_ =	swait.ge [sflag:s15], $0x1000  }
0xc9: {  	[sflag:s15] =	ssyncset.done $0x0  }
0xca: {  	[sflag:s15] =	ssyncadd.s32 $0xFFFFF000  }
0xcb: {  	_ =	sfence.sel $0x180000  }
0xcc: {  	[bflag:$0x0] =	sbarrier.arrive $0xFFFF  }
0xcd: {  	p0 =	sne.s32 s3, $0x0;
	_ =	strace $0x90000047  }
0xce: {  	s0 =	sadd.s32 @!p0 $0x100000, s0;
	[bflag:$0x2] =	sbarrier.arrive $0xFFFF  }
0xcf: {  	[sflag:s0] =	ssyncadd.tile.s32 @!p0 $0x1;
	_ =	shalt  }
.Lfunc_end2:
_tile_overlayer_lowered:
.L_overlay_start_2:
0xd0: {  	(tag) =	ssettag $0x2  }
0xd1: {  	s0 =	rddreg [dreg:$0x0];
	s2 =	stileid.u32  }
0xd2: {  	s1 =	rddreg [dreg:$0x1];
	p0 =	sne.s32 s2, $0x0  }
0xd3: {  	s3 =	rddreg [dreg:$0x2];
	[bflag:$0x3] =	sbarrier.arrive $0xFFFF;
	s2 =	simm.s32 @!p0 $0x1C03  }
0xd4: {  	[timem:s3], [sflag:s2] =	dma.local @!p0 [hbm:s0], s1  }
0xd5: {  	s0 =	simm.s32 @!p0 $0x3  }
0xd6: {  	_ =	swait.ge @!p0 [sflag:s0], s1  }
0xd7: {  	s1 =	ssub.s32 @!p0 $0x0, s1;
	[sflag:s0] =	ssyncset.done @!p0 $0x0  }
0xd8: {  	[sflag:s0] =	ssyncadd.s32 @!p0 s1  }
0xd9: {  	[bflag:$0x3] =	sbarrier.arrive $0xFFFF  }
0xda: {  	_ =	shalt  }

</sc_bundles>
